<compile_context>
chip_gen: v7x
topology: tpu7x:2x2x1
jax: 0.10.2.dev20260603
libtpu: 0.0.44.dev20260713+nightly
codegen_flags: <defaults>
</compile_context>

<pallas_src>
import functools

import jax
import jax.numpy as jnp
from jax import lax
from jax.experimental import pallas as pl
from jax.experimental.pallas import tpu as pltpu
from jax.experimental.pallas import tpu_sc as plsc

L = 16
NC = 2
NS = 16
NW = NC * NS


def _impl(x_flat, tt_flat, word_W, pos_W, tok_W, T):
    BT = x_flat.shape[0]
    H = word_W.shape[1]
    PER_W = BT // NW
    W = T
    NCH = PER_W // W
    WPAD = W + L
    G0 = 128
    G1 = W - G0

    mesh = plsc.VectorSubcoreMesh(core_axis_name="c", subcore_axis_name="s")

    @functools.partial(
        pl.kernel,
        out_type=jax.ShapeDtypeStruct((BT, H), jnp.float32),
        mesh=mesh,
        scratch_types=[
            pltpu.VMEM((2, T, H), jnp.float32),
            pltpu.VMEM((2, H), jnp.float32),
            pltpu.VMEM((WPAD,), jnp.int32),
            pltpu.VMEM((WPAD,), jnp.int32),
            pltpu.VMEM((WPAD,), jnp.int32),
            pltpu.VMEM((WPAD,), jnp.int32),
            pltpu.VMEM((2, W, H), jnp.float32),
            pltpu.SemaphoreType.DMA,
            pltpu.SemaphoreType.DMA,
            pltpu.SemaphoreType.DMA,
            pltpu.SemaphoreType.DMA,
            pltpu.SemaphoreType.DMA,
            pltpu.SemaphoreType.DMA,
        ],
    )
    def k(x_hbm, tt_hbm, w_hbm, pos_hbm, tok_hbm, out_hbm,
          fused_v, tok_v, xidx_v0, xidx_v1, ttv_v0, ttv_v1, rows_v,
          sem_in0, sem_in1, sem_g0, sem_g1, sem_o0, sem_o1):
        wid = lax.axis_index("c") * NS + lax.axis_index("s")
        base = wid * PER_W
        xidx_v = [xidx_v0, xidx_v1]
        ttv_v = [ttv_v0, ttv_v1]
        sem_in = [sem_in0, sem_in1]
        sem_g = [sem_g0, sem_g1]
        sem_o = [sem_o0, sem_o1]

        def start_in(g, buf):
            off = base + g * W
            pltpu.make_async_copy(
                x_hbm.at[pl.ds(off, W)],
                xidx_v[buf].at[pl.ds(0, W)], sem_in[buf]).start()
            pltpu.make_async_copy(
                tt_hbm.at[pl.ds(off, W)],
                ttv_v[buf].at[pl.ds(0, W)], sem_in[buf]).start()

        def wait_in(g, buf):
            off = base + g * W
            pltpu.make_async_copy(
                x_hbm.at[pl.ds(off, W)],
                xidx_v[buf].at[pl.ds(0, W)], sem_in[buf]).wait()
            pltpu.make_async_copy(
                tt_hbm.at[pl.ds(off, W)],
                ttv_v[buf].at[pl.ds(0, W)], sem_in[buf]).wait()

        def gather_copies(buf):
            return (
                pltpu.make_async_copy(
                    w_hbm.at[xidx_v[buf].at[pl.ds(0, G0)]],
                    rows_v.at[buf, pl.ds(0, G0)], sem_g[buf]),
                pltpu.make_async_copy(
                    w_hbm.at[xidx_v[buf].at[pl.ds(G0, G1)]],
                    rows_v.at[buf, pl.ds(G0, G1)], sem_g[buf]),
            )

        def start_gather(buf):
            for c in gather_copies(buf):
                c.start()

        def wait_gather(buf):
            for c in gather_copies(buf):
                c.wait()

        def start_out(g, buf):
            off = base + g * W
            pltpu.make_async_copy(
                rows_v.at[buf], out_hbm.at[pl.ds(off, W)], sem_o[buf]).start()

        def wait_out(g, buf):
            off = base + g * W
            pltpu.make_async_copy(
                rows_v.at[buf], out_hbm.at[pl.ds(off, W)], sem_o[buf]).wait()

        def compute(buf):
            @plsc.parallel_loop(0, W, unroll=4)
            def _(r):
                ttvec = ttv_v[buf][pl.ds(r, L)]
                tt = ttvec[0]
                for j in range(H // L):
                    sl = pl.ds(j * L, L)
                    plsc.addupdate(rows_v.at[buf, r, sl], fused_v[tt, r, sl])

        def step(g, buf):
            nbuf = 1 - buf

            @pl.when(g + 1 < NCH)
            def _():
                wait_in(g + 1, nbuf)

                @pl.when(g >= 1)
                def _():
                    wait_out(g - 1, nbuf)

                start_gather(nbuf)

            wait_gather(buf)
            compute(buf)
            start_out(g, buf)

            @pl.when(g + 2 < NCH)
            def _():
                start_in(g + 2, buf)

        start_in(0, 0)
        wait_in(0, 0)
        start_gather(0)
        start_in(1, 1)

        pltpu.sync_copy(pos_hbm.at[pl.ds(0, T)], fused_v.at[0])
        pltpu.sync_copy(pos_hbm.at[pl.ds(0, T)], fused_v.at[1])
        pltpu.sync_copy(tok_hbm, tok_v)

        @pl.loop(0, T)
        def _(t):
            for j in range(H // L):
                sl = pl.ds(j * L, L)
                fused_v[0, t, sl] = fused_v[0, t, sl] + tok_v[0, sl]
                fused_v[1, t, sl] = fused_v[1, t, sl] + tok_v[1, sl]


        @pl.loop(0, NCH, step=2)
        def _(c0):
            step(c0, 0)
            step(c0 + 1, 1)

        wait_out(NCH - 1, 1)

    return k(x_flat, tt_flat, word_W, pos_W, tok_W)


def kernel(x, token_type, word_W, pos_W, tok_W):
    B, T = x.shape
    H = word_W.shape[1]
    out = _impl(x.reshape(-1), token_type.reshape(-1), word_W, pos_W, tok_W, T)
    return out.reshape(B, T, H)

# --- scband reference (transcript-rebuilt; emitter-appended) ---
"""Pipeline reference for scband-bert-learned-positional-embedding-43044162240642 (READ-ONLY COPY).

The authoritative reference and input builder live on the scoring server;
editing this copy changes nothing except your own understanding.
"""

import jax, jax.numpy as jnp
import numpy as np

V = 100000
H = 128
T_MAX = 512
B = 4096
T = 200


def setup_inputs(seed: int = 0) -> dict:
    key = jax.random.key(seed)
    k1, k2, k3, k4, k5 = jax.random.split(key, 5)
    x = jax.random.randint(k1, (B, T), 0, V, dtype=jnp.int32)
    token_type = jax.random.randint(k2, (B, T), 0, 2, dtype=jnp.int32)
    word_W = jax.random.normal(k3, (V, H), dtype=jnp.float32) * 0.02
    # torch nn.Embedding with padding_idx zero-initializes that row
    word_W = word_W.at[0].set(0.0)
    pos_W = jax.random.normal(k4, (T_MAX, H), dtype=jnp.float32) * 0.02
    tok_W = jax.random.normal(k5, (2, H), dtype=jnp.float32) * 0.02
    return {"x": x, "token_type": token_type, "word_W": word_W, "pos_W": pos_W, "tok_W": tok_W}


def reference(x, token_type, word_W, pos_W, tok_W):
    # word embeddings: gather rows by token id
    embed = jnp.take(word_W, x, axis=0)                      # [B, T, H]
    # learned positional embeddings: gather rows 0..T-1, broadcast over batch
    position = jnp.take(pos_W, jnp.arange(x.shape[-1]), axis=0)[None, :, :]  # [1, T, H]
    # token type (segment) embeddings
    tok = jnp.take(tok_W, token_type, axis=0)                # [B, T, H]
    return embed + position + tok

if __name__ == "__main__":
    import jax
    _d = setup_inputs()
    print(jax.jit(kernel)(*tuple(_d.values())))

</pallas_src>

<mosaic_0001>
#map = affine_map<(d0, d1) -> (0)>
#map1 = affine_map<(d0, d1) -> (0, 0)>
module attributes {stable_mosaic.version = 14 : i64} {
  func.func @k(%arg0: i32, %arg1: i32, %arg2: memref<819200xi32, #tpu.memory_space<hbm>>, %arg3: memref<819200xi32, #tpu.memory_space<hbm>>, %arg4: memref<100000x128xf32, #tpu.memory_space<hbm>>, %arg5: memref<512x128xf32, #tpu.memory_space<hbm>>, %arg6: memref<2x128xf32, #tpu.memory_space<hbm>>, %arg7: memref<819200x128xf32, #tpu.memory_space<hbm>>, %arg8: memref<2x200x128xf32, #tpu.memory_space<vmem>>, %arg9: memref<2x128xf32, #tpu.memory_space<vmem>>, %arg10: memref<216xi32, #tpu.memory_space<vmem>>, %arg11: memref<216xi32, #tpu.memory_space<vmem>>, %arg12: memref<216xi32, #tpu.memory_space<vmem>>, %arg13: memref<216xi32, #tpu.memory_space<vmem>>, %arg14: memref<2x200x128xf32, #tpu.memory_space<vmem>>, %arg15: memref<!tpu.dma_semaphore, #tpu.memory_space<semaphore_mem>>, %arg16: memref<!tpu.dma_semaphore, #tpu.memory_space<semaphore_mem>>, %arg17: memref<!tpu.dma_semaphore, #tpu.memory_space<semaphore_mem>>, %arg18: memref<!tpu.dma_semaphore, #tpu.memory_space<semaphore_mem>>, %arg19: memref<!tpu.dma_semaphore, #tpu.memory_space<semaphore_mem>>, %arg20: memref<!tpu.dma_semaphore, #tpu.memory_space<semaphore_mem>>) attributes {dimension_semantics = [#tpu.dimension_semantics<core_parallel>, #tpu.dimension_semantics<subcore_parallel>], iteration_bounds = array<i64: 2, 16>, scalar_prefetch = 0 : i64, scratch_operands = 13 : i64, tpu.core_type = #tpu.core_type<sc_vector_subcore>, window_params = [{transform_indices = #map}, {transform_indices = #map}, {transform_indices = #map1}, {transform_indices = #map1}, {transform_indices = #map1}, {transform_indices = #map1}]} {
    %mul3A = arith.constant 16 : i32
    %mul3A_0 = arith.muli %arg0, %mul3A : i32
    %add3A = arith.addi %mul3A_0, %arg1 : i32
    %mul3A_1 = arith.constant 25600 : i32
    %mul3A_2 = arith.muli %add3A, %mul3A_1 : i32
    %add3A_3 = arith.constant 0 : i32
    %add3A_4 = arith.addi %mul3A_2, %add3A_3 : i32
    %dma_start3A = arith.constant 0 : i32
    %dma_start3A_5 = tpu.memref_slice %arg10[%dma_start3A] : memref<216xi32, #tpu.memory_space<vmem>> -> memref<200xi32, #tpu.memory_space<vmem>>
    %dma_start3A_6 = tpu.memref_slice %arg2[%add3A_4] : memref<819200xi32, #tpu.memory_space<hbm>> -> memref<200xi32, #tpu.memory_space<hbm>>
    %dma_start3A_7 = arith.constant 0 : i32
    %dma_start3A_8 = tpu.memref_slice %arg10[%dma_start3A_7] : memref<216xi32, #tpu.memory_space<vmem>> -> memref<200xi32, #tpu.memory_space<vmem>>
    %dma_start3A_9 = tpu.memref_slice %arg2[%add3A_4] : memref<819200xi32, #tpu.memory_space<hbm>> -> memref<200xi32, #tpu.memory_space<hbm>>
    tpu.enqueue_dma source(%dma_start3A_9 : memref<200xi32, #tpu.memory_space<hbm>>) target(%dma_start3A_8 : memref<200xi32, #tpu.memory_space<vmem>>) target_semaphore(%arg15 : memref<!tpu.dma_semaphore, #tpu.memory_space<semaphore_mem>>)
    %dma_start3A_10 = arith.constant 0 : i32
    %dma_start3A_11 = tpu.memref_slice %arg12[%dma_start3A_10] : memref<216xi32, #tpu.memory_space<vmem>> -> memref<200xi32, #tpu.memory_space<vmem>>
    %dma_start3A_12 = tpu.memref_slice %arg3[%add3A_4] : memref<819200xi32, #tpu.memory_space<hbm>> -> memref<200xi32, #tpu.memory_space<hbm>>
    %dma_start3A_13 = arith.constant 0 : i32
    %dma_start3A_14 = tpu.memref_slice %arg12[%dma_start3A_13] : memref<216xi32, #tpu.memory_space<vmem>> -> memref<200xi32, #tpu.memory_space<vmem>>
    %dma_start3A_15 = tpu.memref_slice %arg3[%add3A_4] : memref<819200xi32, #tpu.memory_space<hbm>> -> memref<200xi32, #tpu.memory_space<hbm>>
    tpu.enqueue_dma source(%dma_start3A_15 : memref<200xi32, #tpu.memory_space<hbm>>) target(%dma_start3A_14 : memref<200xi32, #tpu.memory_space<vmem>>) target_semaphore(%arg15 : memref<!tpu.dma_semaphore, #tpu.memory_space<semaphore_mem>>)
    %add3A_16 = arith.constant 0 : i32
    %add3A_17 = arith.addi %mul3A_2, %add3A_16 : i32
    %dma_wait3A = arith.constant 0 : i32
    %dma_wait3A_18 = tpu.memref_slice %arg10[%dma_wait3A] : memref<216xi32, #tpu.memory_space<vmem>> -> memref<200xi32, #tpu.memory_space<vmem>>
    %dma_wait3A_19 = tpu.memref_slice %arg2[%add3A_17] : memref<819200xi32, #tpu.memory_space<hbm>> -> memref<200xi32, #tpu.memory_space<hbm>>
    %dma_wait3A_20 = arith.constant 0 : i32
    %dma_wait3A_21 = tpu.memref_slice %arg10[%dma_wait3A_20] : memref<216xi32, #tpu.memory_space<vmem>> -> memref<200xi32, #tpu.memory_space<vmem>>
    %dma_wait3A_22 = tpu.memref_slice %arg2[%add3A_17] : memref<819200xi32, #tpu.memory_space<hbm>> -> memref<200xi32, #tpu.memory_space<hbm>>
    tpu.wait_dma2 semaphore(%arg15 : memref<!tpu.dma_semaphore, #tpu.memory_space<semaphore_mem>>) src(%dma_wait3A_22 : memref<200xi32, #tpu.memory_space<hbm>>) dst(%dma_wait3A_21 : memref<200xi32, #tpu.memory_space<vmem>>)
    %dma_wait3A_23 = arith.constant 0 : i32
    %dma_wait3A_24 = tpu.memref_slice %arg12[%dma_wait3A_23] : memref<216xi32, #tpu.memory_space<vmem>> -> memref<200xi32, #tpu.memory_space<vmem>>
    %dma_wait3A_25 = tpu.memref_slice %arg3[%add3A_17] : memref<819200xi32, #tpu.memory_space<hbm>> -> memref<200xi32, #tpu.memory_space<hbm>>
    %dma_wait3A_26 = arith.constant 0 : i32
    %dma_wait3A_27 = tpu.memref_slice %arg12[%dma_wait3A_26] : memref<216xi32, #tpu.memory_space<vmem>> -> memref<200xi32, #tpu.memory_space<vmem>>
    %dma_wait3A_28 = tpu.memref_slice %arg3[%add3A_17] : memref<819200xi32, #tpu.memory_space<hbm>> -> memref<200xi32, #tpu.memory_space<hbm>>
    tpu.wait_dma2 semaphore(%arg15 : memref<!tpu.dma_semaphore, #tpu.memory_space<semaphore_mem>>) src(%dma_wait3A_28 : memref<200xi32, #tpu.memory_space<hbm>>) dst(%dma_wait3A_27 : memref<200xi32, #tpu.memory_space<vmem>>)
    %dma_start3A_29 = arith.constant 0 : i32
    %dma_start3A_30 = arith.constant 0 : i32
    %dma_start3A_31 = arith.constant 0 : i32
    %dma_start3A_32 = tpu.memref_slice %arg14[%dma_start3A_29, %dma_start3A_30, %dma_start3A_31] : memref<2x200x128xf32, #tpu.memory_space<vmem>> -> memref<1x128x128xf32, #tpu.memory_space<vmem>>
    %dma_start3A_33 = tpu.memref_squeeze %dma_start3A_32 : memref<1x128x128xf32, #tpu.memory_space<vmem>> -> memref<128x128xf32, #tpu.memory_space<vmem>>
    %dma_start3A_34 = arith.constant 0 : i32
    %dma_start3A_35 = tpu.memref_slice %arg10[%dma_start3A_34] : memref<216xi32, #tpu.memory_space<vmem>> -> memref<128xi32, #tpu.memory_space<vmem>>
    %dma_start3A_36 = arith.constant 0 : i32
    %dma_start3A_37 = arith.constant 0 : i32
    %dma_start3A_38 = tpu.memref_slice %arg4[%dma_start3A_36, %dma_start3A_37] : memref<100000x128xf32, #tpu.memory_space<hbm>> -> memref<100000x128xf32, #tpu.memory_space<hbm>>
    tpu.enqueue_indirect_dma source(%dma_start3A_38 : memref<100000x128xf32, #tpu.memory_space<hbm>>) target(%dma_start3A_33 : memref<128x128xf32, #tpu.memory_space<vmem>>) offsets(%dma_start3A_35 : memref<128xi32, #tpu.memory_space<vmem>>) semaphore(%arg17 : memref<!tpu.dma_semaphore, #tpu.memory_space<semaphore_mem>>)
    %dma_start3A_39 = arith.constant 0 : i32
    %dma_start3A_40 = arith.constant 128 : i32
    %dma_start3A_41 = arith.constant 0 : i32
    %dma_start3A_42 = tpu.memref_slice %arg14[%dma_start3A_39, %dma_start3A_40, %dma_start3A_41] : memref<2x200x128xf32, #tpu.memory_space<vmem>> -> memref<1x72x128xf32, #tpu.memory_space<vmem>>
    %dma_start3A_43 = tpu.memref_squeeze %dma_start3A_42 : memref<1x72x128xf32, #tpu.memory_space<vmem>> -> memref<72x128xf32, #tpu.memory_space<vmem>>
    %dma_start3A_44 = arith.constant 128 : i32
    %dma_start3A_45 = tpu.memref_slice %arg10[%dma_start3A_44] : memref<216xi32, #tpu.memory_space<vmem>> -> memref<72xi32, #tpu.memory_space<vmem>>
    %dma_start3A_46 = arith.constant 0 : i32
    %dma_start3A_47 = arith.constant 0 : i32
    %dma_start3A_48 = tpu.memref_slice %arg4[%dma_start3A_46, %dma_start3A_47] : memref<100000x128xf32, #tpu.memory_space<hbm>> -> memref<100000x128xf32, #tpu.memory_space<hbm>>
    tpu.enqueue_indirect_dma source(%dma_start3A_48 : memref<100000x128xf32, #tpu.memory_space<hbm>>) target(%dma_start3A_43 : memref<72x128xf32, #tpu.memory_space<vmem>>) offsets(%dma_start3A_45 : memref<72xi32, #tpu.memory_space<vmem>>) semaphore(%arg17 : memref<!tpu.dma_semaphore, #tpu.memory_space<semaphore_mem>>)
    %add3A_49 = arith.constant 200 : i32
    %add3A_50 = arith.addi %mul3A_2, %add3A_49 : i32
    %dma_start3A_51 = arith.constant 0 : i32
    %dma_start3A_52 = tpu.memref_slice %arg11[%dma_start3A_51] : memref<216xi32, #tpu.memory_space<vmem>> -> memref<200xi32, #tpu.memory_space<vmem>>
    %dma_start3A_53 = tpu.memref_slice %arg2[%add3A_50] : memref<819200xi32, #tpu.memory_space<hbm>> -> memref<200xi32, #tpu.memory_space<hbm>>
    %dma_start3A_54 = arith.constant 0 : i32
    %dma_start3A_55 = tpu.memref_slice %arg11[%dma_start3A_54] : memref<216xi32, #tpu.memory_space<vmem>> -> memref<200xi32, #tpu.memory_space<vmem>>
    %dma_start3A_56 = tpu.memref_slice %arg2[%add3A_50] : memref<819200xi32, #tpu.memory_space<hbm>> -> memref<200xi32, #tpu.memory_space<hbm>>
    tpu.enqueue_dma source(%dma_start3A_56 : memref<200xi32, #tpu.memory_space<hbm>>) target(%dma_start3A_55 : memref<200xi32, #tpu.memory_space<vmem>>) target_semaphore(%arg16 : memref<!tpu.dma_semaphore, #tpu.memory_space<semaphore_mem>>)
    %dma_start3A_57 = arith.constant 0 : i32
    %dma_start3A_58 = tpu.memref_slice %arg13[%dma_start3A_57] : memref<216xi32, #tpu.memory_space<vmem>> -> memref<200xi32, #tpu.memory_space<vmem>>
    %dma_start3A_59 = tpu.memref_slice %arg3[%add3A_50] : memref<819200xi32, #tpu.memory_space<hbm>> -> memref<200xi32, #tpu.memory_space<hbm>>
    %dma_start3A_60 = arith.constant 0 : i32
    %dma_start3A_61 = tpu.memref_slice %arg13[%dma_start3A_60] : memref<216xi32, #tpu.memory_space<vmem>> -> memref<200xi32, #tpu.memory_space<vmem>>
    %dma_start3A_62 = tpu.memref_slice %arg3[%add3A_50] : memref<819200xi32, #tpu.memory_space<hbm>> -> memref<200xi32, #tpu.memory_space<hbm>>
    tpu.enqueue_dma source(%dma_start3A_62 : memref<200xi32, #tpu.memory_space<hbm>>) target(%dma_start3A_61 : memref<200xi32, #tpu.memory_space<vmem>>) target_semaphore(%arg16 : memref<!tpu.dma_semaphore, #tpu.memory_space<semaphore_mem>>)
    %run_scoped3A = arith.constant 0 : i32
    "tpu.region"() ({
      %run_scoped3A_88 = tpu.sem_alloc : memref<!tpu.dma_semaphore, #tpu.memory_space<semaphore_mem>>
      %dma_start3A_89 = arith.constant 0 : i32
      %dma_start3A_90 = arith.constant 0 : i32
      %dma_start3A_91 = tpu.memref_slice %arg8[%run_scoped3A, %dma_start3A_89, %dma_start3A_90] : memref<2x200x128xf32, #tpu.memory_space<vmem>> -> memref<1x200x128xf32, #tpu.memory_space<vmem>>
      %dma_start3A_92 = tpu.memref_squeeze %dma_start3A_91 : memref<1x200x128xf32, #tpu.memory_space<vmem>> -> memref<200x128xf32, #tpu.memory_space<vmem>>
      %dma_start3A_93 = arith.constant 0 : i32
      %dma_start3A_94 = arith.constant 0 : i32
      %dma_start3A_95 = tpu.memref_slice %arg5[%dma_start3A_93, %dma_start3A_94] : memref<512x128xf32, #tpu.memory_space<hbm>> -> memref<200x128xf32, #tpu.memory_space<hbm>>
      %dma_start3A_96 = arith.constant 0 : i32
      %dma_start3A_97 = arith.constant 0 : i32
      %dma_start3A_98 = tpu.memref_slice %arg8[%run_scoped3A, %dma_start3A_96, %dma_start3A_97] : memref<2x200x128xf32, #tpu.memory_space<vmem>> -> memref<1x200x128xf32, #tpu.memory_space<vmem>>
      %dma_start3A_99 = tpu.memref_squeeze %dma_start3A_98 : memref<1x200x128xf32, #tpu.memory_space<vmem>> -> memref<200x128xf32, #tpu.memory_space<vmem>>
      %dma_start3A_100 = arith.constant 0 : i32
      %dma_start3A_101 = arith.constant 0 : i32
      %dma_start3A_102 = tpu.memref_slice %arg5[%dma_start3A_100, %dma_start3A_101] : memref<512x128xf32, #tpu.memory_space<hbm>> -> memref<200x128xf32, #tpu.memory_space<hbm>>
      tpu.enqueue_dma source(%dma_start3A_102 : memref<200x128xf32, #tpu.memory_space<hbm>>) target(%dma_start3A_99 : memref<200x128xf32, #tpu.memory_space<vmem>>) target_semaphore(%run_scoped3A_88 : memref<!tpu.dma_semaphore, #tpu.memory_space<semaphore_mem>>)
      %dma_wait3A_103 = arith.constant 0 : i32
      %dma_wait3A_104 = arith.constant 0 : i32
      %dma_wait3A_105 = tpu.memref_slice %arg8[%run_scoped3A, %dma_wait3A_103, %dma_wait3A_104] : memref<2x200x128xf32, #tpu.memory_space<vmem>> -> memref<1x200x128xf32, #tpu.memory_space<vmem>>
      %dma_wait3A_106 = tpu.memref_squeeze %dma_wait3A_105 : memref<1x200x128xf32, #tpu.memory_space<vmem>> -> memref<200x128xf32, #tpu.memory_space<vmem>>
      %dma_wait3A_107 = arith.constant 0 : i32
      %dma_wait3A_108 = arith.constant 0 : i32
      %dma_wait3A_109 = tpu.memref_slice %arg5[%dma_wait3A_107, %dma_wait3A_108] : memref<512x128xf32, #tpu.memory_space<hbm>> -> memref<200x128xf32, #tpu.memory_space<hbm>>
      %dma_wait3A_110 = arith.constant 0 : i32
      %dma_wait3A_111 = arith.constant 0 : i32
      %dma_wait3A_112 = tpu.memref_slice %arg8[%run_scoped3A, %dma_wait3A_110, %dma_wait3A_111] : memref<2x200x128xf32, #tpu.memory_space<vmem>> -> memref<1x200x128xf32, #tpu.memory_space<vmem>>
      %dma_wait3A_113 = tpu.memref_squeeze %dma_wait3A_112 : memref<1x200x128xf32, #tpu.memory_space<vmem>> -> memref<200x128xf32, #tpu.memory_space<vmem>>
      %dma_wait3A_114 = arith.constant 0 : i32
      %dma_wait3A_115 = arith.constant 0 : i32
      %dma_wait3A_116 = tpu.memref_slice %arg5[%dma_wait3A_114, %dma_wait3A_115] : memref<512x128xf32, #tpu.memory_space<hbm>> -> memref<200x128xf32, #tpu.memory_space<hbm>>
      tpu.wait_dma2 semaphore(%run_scoped3A_88 : memref<!tpu.dma_semaphore, #tpu.memory_space<semaphore_mem>>) src(%dma_wait3A_116 : memref<200x128xf32, #tpu.memory_space<hbm>>) dst(%dma_wait3A_113 : memref<200x128xf32, #tpu.memory_space<vmem>>)
      tpu.yield
    }) : () -> ()
    %run_scoped3A_63 = arith.constant 1 : i32
    "tpu.region"() ({
      %run_scoped3A_88 = tpu.sem_alloc : memref<!tpu.dma_semaphore, #tpu.memory_space<semaphore_mem>>
      %dma_start3A_89 = arith.constant 0 : i32
      %dma_start3A_90 = arith.constant 0 : i32
      %dma_start3A_91 = tpu.memref_slice %arg8[%run_scoped3A_63, %dma_start3A_89, %dma_start3A_90] : memref<2x200x128xf32, #tpu.memory_space<vmem>> -> memref<1x200x128xf32, #tpu.memory_space<vmem>>
      %dma_start3A_92 = tpu.memref_squeeze %dma_start3A_91 : memref<1x200x128xf32, #tpu.memory_space<vmem>> -> memref<200x128xf32, #tpu.memory_space<vmem>>
      %dma_start3A_93 = arith.constant 0 : i32
      %dma_start3A_94 = arith.constant 0 : i32
      %dma_start3A_95 = tpu.memref_slice %arg5[%dma_start3A_93, %dma_start3A_94] : memref<512x128xf32, #tpu.memory_space<hbm>> -> memref<200x128xf32, #tpu.memory_space<hbm>>
      %dma_start3A_96 = arith.constant 0 : i32
      %dma_start3A_97 = arith.constant 0 : i32
      %dma_start3A_98 = tpu.memref_slice %arg8[%run_scoped3A_63, %dma_start3A_96, %dma_start3A_97] : memref<2x200x128xf32, #tpu.memory_space<vmem>> -> memref<1x200x128xf32, #tpu.memory_space<vmem>>
      %dma_start3A_99 = tpu.memref_squeeze %dma_start3A_98 : memref<1x200x128xf32, #tpu.memory_space<vmem>> -> memref<200x128xf32, #tpu.memory_space<vmem>>
      %dma_start3A_100 = arith.constant 0 : i32
      %dma_start3A_101 = arith.constant 0 : i32
      %dma_start3A_102 = tpu.memref_slice %arg5[%dma_start3A_100, %dma_start3A_101] : memref<512x128xf32, #tpu.memory_space<hbm>> -> memref<200x128xf32, #tpu.memory_space<hbm>>
      tpu.enqueue_dma source(%dma_start3A_102 : memref<200x128xf32, #tpu.memory_space<hbm>>) target(%dma_start3A_99 : memref<200x128xf32, #tpu.memory_space<vmem>>) target_semaphore(%run_scoped3A_88 : memref<!tpu.dma_semaphore, #tpu.memory_space<semaphore_mem>>)
      %dma_wait3A_103 = arith.constant 0 : i32
      %dma_wait3A_104 = arith.constant 0 : i32
      %dma_wait3A_105 = tpu.memref_slice %arg8[%run_scoped3A_63, %dma_wait3A_103, %dma_wait3A_104] : memref<2x200x128xf32, #tpu.memory_space<vmem>> -> memref<1x200x128xf32, #tpu.memory_space<vmem>>
      %dma_wait3A_106 = tpu.memref_squeeze %dma_wait3A_105 : memref<1x200x128xf32, #tpu.memory_space<vmem>> -> memref<200x128xf32, #tpu.memory_space<vmem>>
      %dma_wait3A_107 = arith.constant 0 : i32
      %dma_wait3A_108 = arith.constant 0 : i32
      %dma_wait3A_109 = tpu.memref_slice %arg5[%dma_wait3A_107, %dma_wait3A_108] : memref<512x128xf32, #tpu.memory_space<hbm>> -> memref<200x128xf32, #tpu.memory_space<hbm>>
      %dma_wait3A_110 = arith.constant 0 : i32
      %dma_wait3A_111 = arith.constant 0 : i32
      %dma_wait3A_112 = tpu.memref_slice %arg8[%run_scoped3A_63, %dma_wait3A_110, %dma_wait3A_111] : memref<2x200x128xf32, #tpu.memory_space<vmem>> -> memref<1x200x128xf32, #tpu.memory_space<vmem>>
      %dma_wait3A_113 = tpu.memref_squeeze %dma_wait3A_112 : memref<1x200x128xf32, #tpu.memory_space<vmem>> -> memref<200x128xf32, #tpu.memory_space<vmem>>
      %dma_wait3A_114 = arith.constant 0 : i32
      %dma_wait3A_115 = arith.constant 0 : i32
      %dma_wait3A_116 = tpu.memref_slice %arg5[%dma_wait3A_114, %dma_wait3A_115] : memref<512x128xf32, #tpu.memory_space<hbm>> -> memref<200x128xf32, #tpu.memory_space<hbm>>
      tpu.wait_dma2 semaphore(%run_scoped3A_88 : memref<!tpu.dma_semaphore, #tpu.memory_space<semaphore_mem>>) src(%dma_wait3A_116 : memref<200x128xf32, #tpu.memory_space<hbm>>) dst(%dma_wait3A_113 : memref<200x128xf32, #tpu.memory_space<vmem>>)
      tpu.yield
    }) : () -> ()
    "tpu.region"() ({
      %run_scoped3A_88 = tpu.sem_alloc : memref<!tpu.dma_semaphore, #tpu.memory_space<semaphore_mem>>
      tpu.enqueue_dma source(%arg6 : memref<2x128xf32, #tpu.memory_space<hbm>>) target(%arg9 : memref<2x128xf32, #tpu.memory_space<vmem>>) target_semaphore(%run_scoped3A_88 : memref<!tpu.dma_semaphore, #tpu.memory_space<semaphore_mem>>)
      tpu.wait_dma2 semaphore(%run_scoped3A_88 : memref<!tpu.dma_semaphore, #tpu.memory_space<semaphore_mem>>) src(%arg6 : memref<2x128xf32, #tpu.memory_space<hbm>>) dst(%arg9 : memref<2x128xf32, #tpu.memory_space<vmem>>)
      tpu.yield
    }) : () -> ()
    %scan3A = arith.constant 0 : i32
    %scan3A_64 = arith.constant 200 : i32
    %scan3A_65 = arith.addi %scan3A, %scan3A_64 : i32
    %scan3A_66 = arith.constant 1 : i32
    scf.for %scan3A_88 = %scan3A to %scan3A_65 step %scan3A_66  : i32 {
      %mul3A_89 = arith.constant 1 : i32
      %mul3A_90 = arith.muli %scan3A_88, %mul3A_89 : i32
      %add3A_91 = arith.constant 0 : i32
      %add3A_92 = arith.addi %add3A_91, %mul3A_90 : i32
      %get3A = arith.constant 0 : i32
      %get3A_93 = arith.index_cast %get3A : i32 to index
      %get3A_94 = arith.index_cast %add3A_92 : i32 to index
      %get3A_95 = arith.constant 0 : index
      %get3A_96 = tpu.vector_load %arg8[%get3A_93, %get3A_94, %get3A_95] {strides = array<i32>} : memref<2x200x128xf32, #tpu.memory_space<vmem>>, vector<1x1x16xf32>,
      %get3A_97 = vector.shape_cast %get3A_96 : vector<1x1x16xf32> to vector<16xf32>
      %get3A_98 = arith.constant 0 : i32
      %get3A_99 = arith.index_cast %get3A_98 : i32 to index
      %get3A_100 = arith.constant 0 : index
      %get3A_101 = tpu.vector_load %arg9[%get3A_99, %get3A_100] {strides = array<i32>} : memref<2x128xf32, #tpu.memory_space<vmem>>, vector<1x16xf32>,
      %get3A_102 = vector.shape_cast %get3A_101 : vector<1x16xf32> to vector<16xf32>
      %add3A_103 = arith.addf %get3A_97, %get3A_102 : vector<16xf32>
      %swap3A = arith.constant 0 : i32
      %swap3A_104 = arith.index_cast %swap3A : i32 to index
      %swap3A_105 = arith.index_cast %add3A_92 : i32 to index
      %swap3A_106 = arith.constant 0 : index
      %swap3A_107 = tpu.vector_load %arg8[%swap3A_104, %swap3A_105, %swap3A_106] {strides = array<i32>} : memref<2x200x128xf32, #tpu.memory_space<vmem>>, vector<1x1x16xf32>,
      %swap3A_108 = vector.shape_cast %swap3A_107 : vector<1x1x16xf32> to vector<16xf32>
      %swap3A_109 = vector.shape_cast %add3A_103 : vector<16xf32> to vector<1x1x16xf32>
      tpu.vector_store %arg8[%swap3A_104, %swap3A_105, %swap3A_106], %swap3A_109 {strides = array<i32>} : memref<2x200x128xf32, #tpu.memory_space<vmem>>, vector<1x1x16xf32>,
      %get3A_110 = arith.constant 1 : i32
      %get3A_111 = arith.index_cast %get3A_110 : i32 to index
      %get3A_112 = arith.index_cast %add3A_92 : i32 to index
      %get3A_113 = arith.constant 0 : index
      %get3A_114 = tpu.vector_load %arg8[%get3A_111, %get3A_112, %get3A_113] {strides = array<i32>} : memref<2x200x128xf32, #tpu.memory_space<vmem>>, vector<1x1x16xf32>,
      %get3A_115 = vector.shape_cast %get3A_114 : vector<1x1x16xf32> to vector<16xf32>
      %get3A_116 = arith.constant 1 : i32
      %get3A_117 = arith.index_cast %get3A_116 : i32 to index
      %get3A_118 = arith.constant 0 : index
      %get3A_119 = tpu.vector_load %arg9[%get3A_117, %get3A_118] {strides = array<i32>} : memref<2x128xf32, #tpu.memory_space<vmem>>, vector<1x16xf32>,
      %get3A_120 = vector.shape_cast %get3A_119 : vector<1x16xf32> to vector<16xf32>
      %add3A_121 = arith.addf %get3A_115, %get3A_120 : vector<16xf32>
      %swap3A_122 = arith.constant 1 : i32
      %swap3A_123 = arith.index_cast %swap3A_122 : i32 to index
      %swap3A_124 = arith.index_cast %add3A_92 : i32 to index
      %swap3A_125 = arith.constant 0 : index
      %swap3A_126 = tpu.vector_load %arg8[%swap3A_123, %swap3A_124, %swap3A_125] {strides = array<i32>} : memref<2x200x128xf32, #tpu.memory_space<vmem>>, vector<1x1x16xf32>,
      %swap3A_127 = vector.shape_cast %swap3A_126 : vector<1x1x16xf32> to vector<16xf32>
      %swap3A_128 = vector.shape_cast %add3A_121 : vector<16xf32> to vector<1x1x16xf32>
      tpu.vector_store %arg8[%swap3A_123, %swap3A_124, %swap3A_125], %swap3A_128 {strides = array<i32>} : memref<2x200x128xf32, #tpu.memory_space<vmem>>, vector<1x1x16xf32>,
      %get3A_129 = arith.constant 0 : i32
      %get3A_130 = arith.index_cast %get3A_129 : i32 to index
      %get3A_131 = arith.index_cast %add3A_92 : i32 to index
      %get3A_132 = arith.constant 16 : index
      %get3A_133 = tpu.vector_load %arg8[%get3A_130, %get3A_131, %get3A_132] {strides = array<i32>} : memref<2x200x128xf32, #tpu.memory_space<vmem>>, vector<1x1x16xf32>,
      %get3A_134 = vector.shape_cast %get3A_133 : vector<1x1x16xf32> to vector<16xf32>
      %get3A_135 = arith.constant 0 : i32
      %get3A_136 = arith.index_cast %get3A_135 : i32 to index
      %get3A_137 = arith.constant 16 : index
      %get3A_138 = tpu.vector_load %arg9[%get3A_136, %get3A_137] {strides = array<i32>} : memref<2x128xf32, #tpu.memory_space<vmem>>, vector<1x16xf32>,
      %get3A_139 = vector.shape_cast %get3A_138 : vector<1x16xf32> to vector<16xf32>
      %add3A_140 = arith.addf %get3A_134, %get3A_139 : vector<16xf32>
      %swap3A_141 = arith.constant 0 : i32
      %swap3A_142 = arith.index_cast %swap3A_141 : i32 to index
      %swap3A_143 = arith.index_cast %add3A_92 : i32 to index
      %swap3A_144 = arith.constant 16 : index
      %swap3A_145 = tpu.vector_load %arg8[%swap3A_142, %swap3A_143, %swap3A_144] {strides = array<i32>} : memref<2x200x128xf32, #tpu.memory_space<vmem>>, vector<1x1x16xf32>,
      %swap3A_146 = vector.shape_cast %swap3A_145 : vector<1x1x16xf32> to vector<16xf32>
      %swap3A_147 = vector.shape_cast %add3A_140 : vector<16xf32> to vector<1x1x16xf32>
      tpu.vector_store %arg8[%swap3A_142, %swap3A_143, %swap3A_144], %swap3A_147 {strides = array<i32>} : memref<2x200x128xf32, #tpu.memory_space<vmem>>, vector<1x1x16xf32>,
      %get3A_148 = arith.constant 1 : i32
      %get3A_149 = arith.index_cast %get3A_148 : i32 to index
      %get3A_150 = arith.index_cast %add3A_92 : i32 to index
      %get3A_151 = arith.constant 16 : index
      %get3A_152 = tpu.vector_load %arg8[%get3A_149, %get3A_150, %get3A_151] {strides = array<i32>} : memref<2x200x128xf32, #tpu.memory_space<vmem>>, vector<1x1x16xf32>,
      %get3A_153 = vector.shape_cast %get3A_152 : vector<1x1x16xf32> to vector<16xf32>
      %get3A_154 = arith.constant 1 : i32
      %get3A_155 = arith.index_cast %get3A_154 : i32 to index
      %get3A_156 = arith.constant 16 : index
      %get3A_157 = tpu.vector_load %arg9[%get3A_155, %get3A_156] {strides = array<i32>} : memref<2x128xf32, #tpu.memory_space<vmem>>, vector<1x16xf32>,
      %get3A_158 = vector.shape_cast %get3A_157 : vector<1x16xf32> to vector<16xf32>
      %add3A_159 = arith.addf %get3A_153, %get3A_158 : vector<16xf32>
      %swap3A_160 = arith.constant 1 : i32
      %swap3A_161 = arith.index_cast %swap3A_160 : i32 to index
      %swap3A_162 = arith.index_cast %add3A_92 : i32 to index
      %swap3A_163 = arith.constant 16 : index
      %swap3A_164 = tpu.vector_load %arg8[%swap3A_161, %swap3A_162, %swap3A_163] {strides = array<i32>} : memref<2x200x128xf32, #tpu.memory_space<vmem>>, vector<1x1x16xf32>,
      %swap3A_165 = vector.shape_cast %swap3A_164 : vector<1x1x16xf32> to vector<16xf32>
      %swap3A_166 = vector.shape_cast %add3A_159 : vector<16xf32> to vector<1x1x16xf32>
      tpu.vector_store %arg8[%swap3A_161, %swap3A_162, %swap3A_163], %swap3A_166 {strides = array<i32>} : memref<2x200x128xf32, #tpu.memory_space<vmem>>, vector<1x1x16xf32>,
      %get3A_167 = arith.constant 0 : i32
      %get3A_168 = arith.index_cast %get3A_167 : i32 to index
      %get3A_169 = arith.index_cast %add3A_92 : i32 to index
      %get3A_170 = arith.constant 32 : index
      %get3A_171 = tpu.vector_load %arg8[%get3A_168, %get3A_169, %get3A_170] {strides = array<i32>} : memref<2x200x128xf32, #tpu.memory_space<vmem>>, vector<1x1x16xf32>,
      %get3A_172 = vector.shape_cast %get3A_171 : vector<1x1x16xf32> to vector<16xf32>
      %get3A_173 = arith.constant 0 : i32
      %get3A_174 = arith.index_cast %get3A_173 : i32 to index
      %get3A_175 = arith.constant 32 : index
      %get3A_176 = tpu.vector_load %arg9[%get3A_174, %get3A_175] {strides = array<i32>} : memref<2x128xf32, #tpu.memory_space<vmem>>, vector<1x16xf32>,
      %get3A_177 = vector.shape_cast %get3A_176 : vector<1x16xf32> to vector<16xf32>
      %add3A_178 = arith.addf %get3A_172, %get3A_177 : vector<16xf32>
      %swap3A_179 = arith.constant 0 : i32
      %swap3A_180 = arith.index_cast %swap3A_179 : i32 to index
      %swap3A_181 = arith.index_cast %add3A_92 : i32 to index
      %swap3A_182 = arith.constant 32 : index
      %swap3A_183 = tpu.vector_load %arg8[%swap3A_180, %swap3A_181, %swap3A_182] {strides = array<i32>} : memref<2x200x128xf32, #tpu.memory_space<vmem>>, vector<1x1x16xf32>,
      %swap3A_184 = vector.shape_cast %swap3A_183 : vector<1x1x16xf32> to vector<16xf32>
      %swap3A_185 = vector.shape_cast %add3A_178 : vector<16xf32> to vector<1x1x16xf32>
      tpu.vector_store %arg8[%swap3A_180, %swap3A_181, %swap3A_182], %swap3A_185 {strides = array<i32>} : memref<2x200x128xf32, #tpu.memory_space<vmem>>, vector<1x1x16xf32>,
      %get3A_186 = arith.constant 1 : i32
      %get3A_187 = arith.index_cast %get3A_186 : i32 to index
      %get3A_188 = arith.index_cast %add3A_92 : i32 to index
      %get3A_189 = arith.constant 32 : index
      %get3A_190 = tpu.vector_load %arg8[%get3A_187, %get3A_188, %get3A_189] {strides = array<i32>} : memref<2x200x128xf32, #tpu.memory_space<vmem>>, vector<1x1x16xf32>,
      %get3A_191 = vector.shape_cast %get3A_190 : vector<1x1x16xf32> to vector<16xf32>
      %get3A_192 = arith.constant 1 : i32
      %get3A_193 = arith.index_cast %get3A_192 : i32 to index
      %get3A_194 = arith.constant 32 : index
      %get3A_195 = tpu.vector_load %arg9[%get3A_193, %get3A_194] {strides = array<i32>} : memref<2x128xf32, #tpu.memory_space<vmem>>, vector<1x16xf32>,
      %get3A_196 = vector.shape_cast %get3A_195 : vector<1x16xf32> to vector<16xf32>
      %add3A_197 = arith.addf %get3A_191, %get3A_196 : vector<16xf32>
      %swap3A_198 = arith.constant 1 : i32
      %swap3A_199 = arith.index_cast %swap3A_198 : i32 to index
      %swap3A_200 = arith.index_cast %add3A_92 : i32 to index
      %swap3A_201 = arith.constant 32 : index
      %swap3A_202 = tpu.vector_load %arg8[%swap3A_199, %swap3A_200, %swap3A_201] {strides = array<i32>} : memref<2x200x128xf32, #tpu.memory_space<vmem>>, vector<1x1x16xf32>,
      %swap3A_203 = vector.shape_cast %swap3A_202 : vector<1x1x16xf32> to vector<16xf32>
      %swap3A_204 = vector.shape_cast %add3A_197 : vector<16xf32> to vector<1x1x16xf32>
      tpu.vector_store %arg8[%swap3A_199, %swap3A_200, %swap3A_201], %swap3A_204 {strides = array<i32>} : memref<2x200x128xf32, #tpu.memory_space<vmem>>, vector<1x1x16xf32>,
      %get3A_205 = arith.constant 0 : i32
      %get3A_206 = arith.index_cast %get3A_205 : i32 to index
      %get3A_207 = arith.index_cast %add3A_92 : i32 to index
      %get3A_208 = arith.constant 48 : index
      %get3A_209 = tpu.vector_load %arg8[%get3A_206, %get3A_207, %get3A_208] {strides = array<i32>} : memref<2x200x128xf32, #tpu.memory_space<vmem>>, vector<1x1x16xf32>,
      %get3A_210 = vector.shape_cast %get3A_209 : vector<1x1x16xf32> to vector<16xf32>
      %get3A_211 = arith.constant 0 : i32
      %get3A_212 = arith.index_cast %get3A_211 : i32 to index
      %get3A_213 = arith.constant 48 : index
      %get3A_214 = tpu.vector_load %arg9[%get3A_212, %get3A_213] {strides = array<i32>} : memref<2x128xf32, #tpu.memory_space<vmem>>, vector<1x16xf32>,
      %get3A_215 = vector.shape_cast %get3A_214 : vector<1x16xf32> to vector<16xf32>
      %add3A_216 = arith.addf %get3A_210, %get3A_215 : vector<16xf32>
      %swap3A_217 = arith.constant 0 : i32
      %swap3A_218 = arith.index_cast %swap3A_217 : i32 to index
      %swap3A_219 = arith.index_cast %add3A_92 : i32 to index
      %swap3A_220 = arith.constant 48 : index
      %swap3A_221 = tpu.vector_load %arg8[%swap3A_218, %swap3A_219, %swap3A_220] {strides = array<i32>} : memref<2x200x128xf32, #tpu.memory_space<vmem>>, vector<1x1x16xf32>,
      %swap3A_222 = vector.shape_cast %swap3A_221 : vector<1x1x16xf32> to vector<16xf32>
      %swap3A_223 = vector.shape_cast %add3A_216 : vector<16xf32> to vector<1x1x16xf32>
      tpu.vector_store %arg8[%swap3A_218, %swap3A_219, %swap3A_220], %swap3A_223 {strides = array<i32>} : memref<2x200x128xf32, #tpu.memory_space<vmem>>, vector<1x1x16xf32>,
      %get3A_224 = arith.constant 1 : i32
      %get3A_225 = arith.index_cast %get3A_224 : i32 to index
      %get3A_226 = arith.index_cast %add3A_92 : i32 to index
      %get3A_227 = arith.constant 48 : index
      %get3A_228 = tpu.vector_load %arg8[%get3A_225, %get3A_226, %get3A_227] {strides = array<i32>} : memref<2x200x128xf32, #tpu.memory_space<vmem>>, vector<1x1x16xf32>,
      %get3A_229 = vector.shape_cast %get3A_228 : vector<1x1x16xf32> to vector<16xf32>
      %get3A_230 = arith.constant 1 : i32
      %get3A_231 = arith.index_cast %get3A_230 : i32 to index
      %get3A_232 = arith.constant 48 : index
      %get3A_233 = tpu.vector_load %arg9[%get3A_231, %get3A_232] {strides = array<i32>} : memref<2x128xf32, #tpu.memory_space<vmem>>, vector<1x16xf32>,
      %get3A_234 = vector.shape_cast %get3A_233 : vector<1x16xf32> to vector<16xf32>
      %add3A_235 = arith.addf %get3A_229, %get3A_234 : vector<16xf32>
      %swap3A_236 = arith.constant 1 : i32
      %swap3A_237 = arith.index_cast %swap3A_236 : i32 to index
      %swap3A_238 = arith.index_cast %add3A_92 : i32 to index
      %swap3A_239 = arith.constant 48 : index
      %swap3A_240 = tpu.vector_load %arg8[%swap3A_237, %swap3A_238, %swap3A_239] {strides = array<i32>} : memref<2x200x128xf32, #tpu.memory_space<vmem>>, vector<1x1x16xf32>,
      %swap3A_241 = vector.shape_cast %swap3A_240 : vector<1x1x16xf32> to vector<16xf32>
      %swap3A_242 = vector.shape_cast %add3A_235 : vector<16xf32> to vector<1x1x16xf32>
      tpu.vector_store %arg8[%swap3A_237, %swap3A_238, %swap3A_239], %swap3A_242 {strides = array<i32>} : memref<2x200x128xf32, #tpu.memory_space<vmem>>, vector<1x1x16xf32>,
      %get3A_243 = arith.constant 0 : i32
      %get3A_244 = arith.index_cast %get3A_243 : i32 to index
      %get3A_245 = arith.index_cast %add3A_92 : i32 to index
      %get3A_246 = arith.constant 64 : index
      %get3A_247 = tpu.vector_load %arg8[%get3A_244, %get3A_245, %get3A_246] {strides = array<i32>} : memref<2x200x128xf32, #tpu.memory_space<vmem>>, vector<1x1x16xf32>,
      %get3A_248 = vector.shape_cast %get3A_247 : vector<1x1x16xf32> to vector<16xf32>
      %get3A_249 = arith.constant 0 : i32
      %get3A_250 = arith.index_cast %get3A_249 : i32 to index
      %get3A_251 = arith.constant 64 : index
      %get3A_252 = tpu.vector_load %arg9[%get3A_250, %get3A_251] {strides = array<i32>} : memref<2x128xf32, #tpu.memory_space<vmem>>, vector<1x16xf32>,
      %get3A_253 = vector.shape_cast %get3A_252 : vector<1x16xf32> to vector<16xf32>
      %add3A_254 = arith.addf %get3A_248, %get3A_253 : vector<16xf32>
      %swap3A_255 = arith.constant 0 : i32
      %swap3A_256 = arith.index_cast %swap3A_255 : i32 to index
      %swap3A_257 = arith.index_cast %add3A_92 : i32 to index
      %swap3A_258 = arith.constant 64 : index
      %swap3A_259 = tpu.vector_load %arg8[%swap3A_256, %swap3A_257, %swap3A_258] {strides = array<i32>} : memref<2x200x128xf32, #tpu.memory_space<vmem>>, vector<1x1x16xf32>,
      %swap3A_260 = vector.shape_cast %swap3A_259 : vector<1x1x16xf32> to vector<16xf32>
      %swap3A_261 = vector.shape_cast %add3A_254 : vector<16xf32> to vector<1x1x16xf32>
      tpu.vector_store %arg8[%swap3A_256, %swap3A_257, %swap3A_258], %swap3A_261 {strides = array<i32>} : memref<2x200x128xf32, #tpu.memory_space<vmem>>, vector<1x1x16xf32>,
      %get3A_262 = arith.constant 1 : i32
      %get3A_263 = arith.index_cast %get3A_262 : i32 to index
      %get3A_264 = arith.index_cast %add3A_92 : i32 to index
      %get3A_265 = arith.constant 64 : index
      %get3A_266 = tpu.vector_load %arg8[%get3A_263, %get3A_264, %get3A_265] {strides = array<i32>} : memref<2x200x128xf32, #tpu.memory_space<vmem>>, vector<1x1x16xf32>,
      %get3A_267 = vector.shape_cast %get3A_266 : vector<1x1x16xf32> to vector<16xf32>
      %get3A_268 = arith.constant 1 : i32
      %get3A_269 = arith.index_cast %get3A_268 : i32 to index
      %get3A_270 = arith.constant 64 : index
      %get3A_271 = tpu.vector_load %arg9[%get3A_269, %get3A_270] {strides = array<i32>} : memref<2x128xf32, #tpu.memory_space<vmem>>, vector<1x16xf32>,
      %get3A_272 = vector.shape_cast %get3A_271 : vector<1x16xf32> to vector<16xf32>
      %add3A_273 = arith.addf %get3A_267, %get3A_272 : vector<16xf32>
      %swap3A_274 = arith.constant 1 : i32
      %swap3A_275 = arith.index_cast %swap3A_274 : i32 to index
      %swap3A_276 = arith.index_cast %add3A_92 : i32 to index
      %swap3A_277 = arith.constant 64 : index
      %swap3A_278 = tpu.vector_load %arg8[%swap3A_275, %swap3A_276, %swap3A_277] {strides = array<i32>} : memref<2x200x128xf32, #tpu.memory_space<vmem>>, vector<1x1x16xf32>,
      %swap3A_279 = vector.shape_cast %swap3A_278 : vector<1x1x16xf32> to vector<16xf32>
      %swap3A_280 = vector.shape_cast %add3A_273 : vector<16xf32> to vector<1x1x16xf32>
      tpu.vector_store %arg8[%swap3A_275, %swap3A_276, %swap3A_277], %swap3A_280 {strides = array<i32>} : memref<2x200x128xf32, #tpu.memory_space<vmem>>, vector<1x1x16xf32>,
      %get3A_281 = arith.constant 0 : i32
      %get3A_282 = arith.index_cast %get3A_281 : i32 to index
      %get3A_283 = arith.index_cast %add3A_92 : i32 to index
      %get3A_284 = arith.constant 80 : index
      %get3A_285 = tpu.vector_load %arg8[%get3A_282, %get3A_283, %get3A_284] {strides = array<i32>} : memref<2x200x128xf32, #tpu.memory_space<vmem>>, vector<1x1x16xf32>,
      %get3A_286 = vector.shape_cast %get3A_285 : vector<1x1x16xf32> to vector<16xf32>
      %get3A_287 = arith.constant 0 : i32
      %get3A_288 = arith.index_cast %get3A_287 : i32 to index
      %get3A_289 = arith.constant 80 : index
      %get3A_290 = tpu.vector_load %arg9[%get3A_288, %get3A_289] {strides = array<i32>} : memref<2x128xf32, #tpu.memory_space<vmem>>, vector<1x16xf32>,
      %get3A_291 = vector.shape_cast %get3A_290 : vector<1x16xf32> to vector<16xf32>
      %add3A_292 = arith.addf %get3A_286, %get3A_291 : vector<16xf32>
      %swap3A_293 = arith.constant 0 : i32
      %swap3A_294 = arith.index_cast %swap3A_293 : i32 to index
      %swap3A_295 = arith.index_cast %add3A_92 : i32 to index
      %swap3A_296 = arith.constant 80 : index
      %swap3A_297 = tpu.vector_load %arg8[%swap3A_294, %swap3A_295, %swap3A_296] {strides = array<i32>} : memref<2x200x128xf32, #tpu.memory_space<vmem>>, vector<1x1x16xf32>,
      %swap3A_298 = vector.shape_cast %swap3A_297 : vector<1x1x16xf32> to vector<16xf32>
      %swap3A_299 = vector.shape_cast %add3A_292 : vector<16xf32> to vector<1x1x16xf32>
      tpu.vector_store %arg8[%swap3A_294, %swap3A_295, %swap3A_296], %swap3A_299 {strides = array<i32>} : memref<2x200x128xf32, #tpu.memory_space<vmem>>, vector<1x1x16xf32>,
      %get3A_300 = arith.constant 1 : i32
      %get3A_301 = arith.index_cast %get3A_300 : i32 to index
      %get3A_302 = arith.index_cast %add3A_92 : i32 to index
      %get3A_303 = arith.constant 80 : index
      %get3A_304 = tpu.vector_load %arg8[%get3A_301, %get3A_302, %get3A_303] {strides = array<i32>} : memref<2x200x128xf32, #tpu.memory_space<vmem>>, vector<1x1x16xf32>,
      %get3A_305 = vector.shape_cast %get3A_304 : vector<1x1x16xf32> to vector<16xf32>
      %get3A_306 = arith.constant 1 : i32
      %get3A_307 = arith.index_cast %get3A_306 : i32 to index
      %get3A_308 = arith.constant 80 : index
      %get3A_309 = tpu.vector_load %arg9[%get3A_307, %get3A_308] {strides = array<i32>} : memref<2x128xf32, #tpu.memory_space<vmem>>, vector<1x16xf32>,
      %get3A_310 = vector.shape_cast %get3A_309 : vector<1x16xf32> to vector<16xf32>
      %add3A_311 = arith.addf %get3A_305, %get3A_310 : vector<16xf32>
      %swap3A_312 = arith.constant 1 : i32
      %swap3A_313 = arith.index_cast %swap3A_312 : i32 to index
      %swap3A_314 = arith.index_cast %add3A_92 : i32 to index
      %swap3A_315 = arith.constant 80 : index
      %swap3A_316 = tpu.vector_load %arg8[%swap3A_313, %swap3A_314, %swap3A_315] {strides = array<i32>} : memref<2x200x128xf32, #tpu.memory_space<vmem>>, vector<1x1x16xf32>,
      %swap3A_317 = vector.shape_cast %swap3A_316 : vector<1x1x16xf32> to vector<16xf32>
      %swap3A_318 = vector.shape_cast %add3A_311 : vector<16xf32> to vector<1x1x16xf32>
      tpu.vector_store %arg8[%swap3A_313, %swap3A_314, %swap3A_315], %swap3A_318 {strides = array<i32>} : memref<2x200x128xf32, #tpu.memory_space<vmem>>, vector<1x1x16xf32>,
      %get3A_319 = arith.constant 0 : i32
      %get3A_320 = arith.index_cast %get3A_319 : i32 to index
      %get3A_321 = arith.index_cast %add3A_92 : i32 to index
      %get3A_322 = arith.constant 96 : index
      %get3A_323 = tpu.vector_load %arg8[%get3A_320, %get3A_321, %get3A_322] {strides = array<i32>} : memref<2x200x128xf32, #tpu.memory_space<vmem>>, vector<1x1x16xf32>,
      %get3A_324 = vector.shape_cast %get3A_323 : vector<1x1x16xf32> to vector<16xf32>
      %get3A_325 = arith.constant 0 : i32
      %get3A_326 = arith.index_cast %get3A_325 : i32 to index
      %get3A_327 = arith.constant 96 : index
      %get3A_328 = tpu.vector_load %arg9[%get3A_326, %get3A_327] {strides = array<i32>} : memref<2x128xf32, #tpu.memory_space<vmem>>, vector<1x16xf32>,
      %get3A_329 = vector.shape_cast %get3A_328 : vector<1x16xf32> to vector<16xf32>
      %add3A_330 = arith.addf %get3A_324, %get3A_329 : vector<16xf32>
      %swap3A_331 = arith.constant 0 : i32
      %swap3A_332 = arith.index_cast %swap3A_331 : i32 to index
      %swap3A_333 = arith.index_cast %add3A_92 : i32 to index
      %swap3A_334 = arith.constant 96 : index
      %swap3A_335 = tpu.vector_load %arg8[%swap3A_332, %swap3A_333, %swap3A_334] {strides = array<i32>} : memref<2x200x128xf32, #tpu.memory_space<vmem>>, vector<1x1x16xf32>,
      %swap3A_336 = vector.shape_cast %swap3A_335 : vector<1x1x16xf32> to vector<16xf32>
      %swap3A_337 = vector.shape_cast %add3A_330 : vector<16xf32> to vector<1x1x16xf32>
      tpu.vector_store %arg8[%swap3A_332, %swap3A_333, %swap3A_334], %swap3A_337 {strides = array<i32>} : memref<2x200x128xf32, #tpu.memory_space<vmem>>, vector<1x1x16xf32>,
      %get3A_338 = arith.constant 1 : i32
      %get3A_339 = arith.index_cast %get3A_338 : i32 to index
      %get3A_340 = arith.index_cast %add3A_92 : i32 to index
      %get3A_341 = arith.constant 96 : index
      %get3A_342 = tpu.vector_load %arg8[%get3A_339, %get3A_340, %get3A_341] {strides = array<i32>} : memref<2x200x128xf32, #tpu.memory_space<vmem>>, vector<1x1x16xf32>,
      %get3A_343 = vector.shape_cast %get3A_342 : vector<1x1x16xf32> to vector<16xf32>
      %get3A_344 = arith.constant 1 : i32
      %get3A_345 = arith.index_cast %get3A_344 : i32 to index
      %get3A_346 = arith.constant 96 : index
      %get3A_347 = tpu.vector_load %arg9[%get3A_345, %get3A_346] {strides = array<i32>} : memref<2x128xf32, #tpu.memory_space<vmem>>, vector<1x16xf32>,
      %get3A_348 = vector.shape_cast %get3A_347 : vector<1x16xf32> to vector<16xf32>
      %add3A_349 = arith.addf %get3A_343, %get3A_348 : vector<16xf32>
      %swap3A_350 = arith.constant 1 : i32
      %swap3A_351 = arith.index_cast %swap3A_350 : i32 to index
      %swap3A_352 = arith.index_cast %add3A_92 : i32 to index
      %swap3A_353 = arith.constant 96 : index
      %swap3A_354 = tpu.vector_load %arg8[%swap3A_351, %swap3A_352, %swap3A_353] {strides = array<i32>} : memref<2x200x128xf32, #tpu.memory_space<vmem>>, vector<1x1x16xf32>,
      %swap3A_355 = vector.shape_cast %swap3A_354 : vector<1x1x16xf32> to vector<16xf32>
      %swap3A_356 = vector.shape_cast %add3A_349 : vector<16xf32> to vector<1x1x16xf32>
      tpu.vector_store %arg8[%swap3A_351, %swap3A_352, %swap3A_353], %swap3A_356 {strides = array<i32>} : memref<2x200x128xf32, #tpu.memory_space<vmem>>, vector<1x1x16xf32>,
      %get3A_357 = arith.constant 0 : i32
      %get3A_358 = arith.index_cast %get3A_357 : i32 to index
      %get3A_359 = arith.index_cast %add3A_92 : i32 to index
      %get3A_360 = arith.constant 112 : index
      %get3A_361 = tpu.vector_load %arg8[%get3A_358, %get3A_359, %get3A_360] {strides = array<i32>} : memref<2x200x128xf32, #tpu.memory_space<vmem>>, vector<1x1x16xf32>,
      %get3A_362 = vector.shape_cast %get3A_361 : vector<1x1x16xf32> to vector<16xf32>
      %get3A_363 = arith.constant 0 : i32
      %get3A_364 = arith.index_cast %get3A_363 : i32 to index
      %get3A_365 = arith.constant 112 : index
      %get3A_366 = tpu.vector_load %arg9[%get3A_364, %get3A_365] {strides = array<i32>} : memref<2x128xf32, #tpu.memory_space<vmem>>, vector<1x16xf32>,
      %get3A_367 = vector.shape_cast %get3A_366 : vector<1x16xf32> to vector<16xf32>
      %add3A_368 = arith.addf %get3A_362, %get3A_367 : vector<16xf32>
      %swap3A_369 = arith.constant 0 : i32
      %swap3A_370 = arith.index_cast %swap3A_369 : i32 to index
      %swap3A_371 = arith.index_cast %add3A_92 : i32 to index
      %swap3A_372 = arith.constant 112 : index
      %swap3A_373 = tpu.vector_load %arg8[%swap3A_370, %swap3A_371, %swap3A_372] {strides = array<i32>} : memref<2x200x128xf32, #tpu.memory_space<vmem>>, vector<1x1x16xf32>,
      %swap3A_374 = vector.shape_cast %swap3A_373 : vector<1x1x16xf32> to vector<16xf32>
      %swap3A_375 = vector.shape_cast %add3A_368 : vector<16xf32> to vector<1x1x16xf32>
      tpu.vector_store %arg8[%swap3A_370, %swap3A_371, %swap3A_372], %swap3A_375 {strides = array<i32>} : memref<2x200x128xf32, #tpu.memory_space<vmem>>, vector<1x1x16xf32>,
      %get3A_376 = arith.constant 1 : i32
      %get3A_377 = arith.index_cast %get3A_376 : i32 to index
      %get3A_378 = arith.index_cast %add3A_92 : i32 to index
      %get3A_379 = arith.constant 112 : index
      %get3A_380 = tpu.vector_load %arg8[%get3A_377, %get3A_378, %get3A_379] {strides = array<i32>} : memref<2x200x128xf32, #tpu.memory_space<vmem>>, vector<1x1x16xf32>,
      %get3A_381 = vector.shape_cast %get3A_380 : vector<1x1x16xf32> to vector<16xf32>
      %get3A_382 = arith.constant 1 : i32
      %get3A_383 = arith.index_cast %get3A_382 : i32 to index
      %get3A_384 = arith.constant 112 : index
      %get3A_385 = tpu.vector_load %arg9[%get3A_383, %get3A_384] {strides = array<i32>} : memref<2x128xf32, #tpu.memory_space<vmem>>, vector<1x16xf32>,
      %get3A_386 = vector.shape_cast %get3A_385 : vector<1x16xf32> to vector<16xf32>
      %add3A_387 = arith.addf %get3A_381, %get3A_386 : vector<16xf32>
      %swap3A_388 = arith.constant 1 : i32
      %swap3A_389 = arith.index_cast %swap3A_388 : i32 to index
      %swap3A_390 = arith.index_cast %add3A_92 : i32 to index
      %swap3A_391 = arith.constant 112 : index
      %swap3A_392 = tpu.vector_load %arg8[%swap3A_389, %swap3A_390, %swap3A_391] {strides = array<i32>} : memref<2x200x128xf32, #tpu.memory_space<vmem>>, vector<1x1x16xf32>,
      %swap3A_393 = vector.shape_cast %swap3A_392 : vector<1x1x16xf32> to vector<16xf32>
      %swap3A_394 = vector.shape_cast %add3A_387 : vector<16xf32> to vector<1x1x16xf32>
      tpu.vector_store %arg8[%swap3A_389, %swap3A_390, %swap3A_391], %swap3A_394 {strides = array<i32>} : memref<2x200x128xf32, #tpu.memory_space<vmem>>, vector<1x1x16xf32>,
    }
    %scan3A_67 = arith.constant 200 : i32
    %scan3A_68 = arith.constant 0 : i32
    %scan3A_69 = arith.constant 64 : i32
    %scan3A_70 = arith.addi %scan3A_68, %scan3A_69 : i32
    %scan3A_71 = arith.constant 1 : i32
    scf.for %scan3A_88 = %scan3A_68 to %scan3A_70 step %scan3A_71  : i32 {
      %mul3A_89 = arith.constant 2 : i32
      %mul3A_90 = arith.muli %scan3A_88, %mul3A_89 : i32
      %add3A_91 = arith.constant 0 : i32
      %add3A_92 = arith.addi %add3A_91, %mul3A_90 : i32
      %add3A_93 = arith.constant 1 : i32
      %add3A_94 = arith.addi %add3A_92, %add3A_93 : i32
      %lt3A = arith.constant 128 : i32
      %lt3A_95 = arith.cmpi slt, %add3A_94, %lt3A : i32
      %convert_element_type3A = arith.extui %lt3A_95 : i1 to i32
      %cond3A = arith.constant 0 : i32
      %cond3A_96 = arith.cmpi ne, %convert_element_type3A, %cond3A : i32
      scf.if %cond3A_96 {
        %add3A_197 = arith.constant 1 : i32
        %add3A_198 = arith.addi %add3A_92, %add3A_197 : i32
        %mul3A_199 = arith.constant 200 : i32
        %mul3A_200 = arith.muli %add3A_198, %mul3A_199 : i32
        %add3A_201 = arith.addi %mul3A_2, %mul3A_200 : i32
        %dma_wait3A_202 = arith.constant 0 : i32
        %dma_wait3A_203 = tpu.memref_slice %arg11[%dma_wait3A_202] : memref<216xi32, #tpu.memory_space<vmem>> -> memref<200xi32, #tpu.memory_space<vmem>>
        %dma_wait3A_204 = tpu.memref_slice %arg2[%add3A_201] : memref<819200xi32, #tpu.memory_space<hbm>> -> memref<200xi32, #tpu.memory_space<hbm>>
        %dma_wait3A_205 = arith.constant 0 : i32
        %dma_wait3A_206 = tpu.memref_slice %arg11[%dma_wait3A_205] : memref<216xi32, #tpu.memory_space<vmem>> -> memref<200xi32, #tpu.memory_space<vmem>>
        %dma_wait3A_207 = tpu.memref_slice %arg2[%add3A_201] : memref<819200xi32, #tpu.memory_space<hbm>> -> memref<200xi32, #tpu.memory_space<hbm>>
        tpu.wait_dma2 semaphore(%arg16 : memref<!tpu.dma_semaphore, #tpu.memory_space<semaphore_mem>>) src(%dma_wait3A_207 : memref<200xi32, #tpu.memory_space<hbm>>) dst(%dma_wait3A_206 : memref<200xi32, #tpu.memory_space<vmem>>)
        %dma_wait3A_208 = arith.constant 0 : i32
        %dma_wait3A_209 = tpu.memref_slice %arg13[%dma_wait3A_208] : memref<216xi32, #tpu.memory_space<vmem>> -> memref<200xi32, #tpu.memory_space<vmem>>
        %dma_wait3A_210 = tpu.memref_slice %arg3[%add3A_201] : memref<819200xi32, #tpu.memory_space<hbm>> -> memref<200xi32, #tpu.memory_space<hbm>>
        %dma_wait3A_211 = arith.constant 0 : i32
        %dma_wait3A_212 = tpu.memref_slice %arg13[%dma_wait3A_211] : memref<216xi32, #tpu.memory_space<vmem>> -> memref<200xi32, #tpu.memory_space<vmem>>
        %dma_wait3A_213 = tpu.memref_slice %arg3[%add3A_201] : memref<819200xi32, #tpu.memory_space<hbm>> -> memref<200xi32, #tpu.memory_space<hbm>>
        tpu.wait_dma2 semaphore(%arg16 : memref<!tpu.dma_semaphore, #tpu.memory_space<semaphore_mem>>) src(%dma_wait3A_213 : memref<200xi32, #tpu.memory_space<hbm>>) dst(%dma_wait3A_212 : memref<200xi32, #tpu.memory_space<vmem>>)
        %ge3A = arith.constant 1 : i32
        %ge3A_214 = arith.cmpi sge, %add3A_92, %ge3A : i32
        %convert_element_type3A_215 = arith.extui %ge3A_214 : i1 to i32
        %cond3A_216 = arith.constant 0 : i32
        %cond3A_217 = arith.cmpi ne, %convert_element_type3A_215, %cond3A_216 : i32
        scf.if %cond3A_217 {
          %sub3A = arith.constant 1 : i32
          %sub3A_238 = arith.subi %add3A_92, %sub3A : i32
          %mul3A_239 = arith.constant 200 : i32
          %mul3A_240 = arith.muli %sub3A_238, %mul3A_239 : i32
          %add3A_241 = arith.addi %mul3A_2, %mul3A_240 : i32
          %dma_wait3A_242 = arith.constant 1 : i32
          %dma_wait3A_243 = arith.constant 0 : i32
          %dma_wait3A_244 = arith.constant 0 : i32
          %dma_wait3A_245 = tpu.memref_slice %arg14[%dma_wait3A_242, %dma_wait3A_243, %dma_wait3A_244] : memref<2x200x128xf32, #tpu.memory_space<vmem>> -> memref<1x200x128xf32, #tpu.memory_space<vmem>>
          %dma_wait3A_246 = tpu.memref_squeeze %dma_wait3A_245 : memref<1x200x128xf32, #tpu.memory_space<vmem>> -> memref<200x128xf32, #tpu.memory_space<vmem>>
          %dma_wait3A_247 = arith.constant 0 : i32
          %dma_wait3A_248 = tpu.memref_slice %arg7[%add3A_241, %dma_wait3A_247] : memref<819200x128xf32, #tpu.memory_space<hbm>> -> memref<200x128xf32, #tpu.memory_space<hbm>>
          %dma_wait3A_249 = arith.constant 0 : i32
          %dma_wait3A_250 = tpu.memref_slice %arg7[%add3A_241, %dma_wait3A_249] : memref<819200x128xf32, #tpu.memory_space<hbm>> -> memref<200x128xf32, #tpu.memory_space<hbm>>
          %dma_wait3A_251 = arith.constant 0 : i32
          %dma_wait3A_252 = arith.constant 0 : i32
          %dma_wait3A_253 = tpu.memref_slice %arg14[%dma_wait3A_242, %dma_wait3A_251, %dma_wait3A_252] : memref<2x200x128xf32, #tpu.memory_space<vmem>> -> memref<1x200x128xf32, #tpu.memory_space<vmem>>
          %dma_wait3A_254 = tpu.memref_squeeze %dma_wait3A_253 : memref<1x200x128xf32, #tpu.memory_space<vmem>> -> memref<200x128xf32, #tpu.memory_space<vmem>>
          tpu.wait_dma2 semaphore(%arg20 : memref<!tpu.dma_semaphore, #tpu.memory_space<semaphore_mem>>) src(%dma_wait3A_254 : memref<200x128xf32, #tpu.memory_space<vmem>>) dst(%dma_wait3A_250 : memref<200x128xf32, #tpu.memory_space<hbm>>)
        } else {
        }
        %dma_start3A_218 = arith.constant 1 : i32
        %dma_start3A_219 = arith.constant 0 : i32
        %dma_start3A_220 = arith.constant 0 : i32
        %dma_start3A_221 = tpu.memref_slice %arg14[%dma_start3A_218, %dma_start3A_219, %dma_start3A_220] : memref<2x200x128xf32, #tpu.memory_space<vmem>> -> memref<1x128x128xf32, #tpu.memory_space<vmem>>
        %dma_start3A_222 = tpu.memref_squeeze %dma_start3A_221 : memref<1x128x128xf32, #tpu.memory_space<vmem>> -> memref<128x128xf32, #tpu.memory_space<vmem>>
        %dma_start3A_223 = arith.constant 0 : i32
        %dma_start3A_224 = tpu.memref_slice %arg11[%dma_start3A_223] : memref<216xi32, #tpu.memory_space<vmem>> -> memref<128xi32, #tpu.memory_space<vmem>>
        %dma_start3A_225 = arith.constant 0 : i32
        %dma_start3A_226 = arith.constant 0 : i32
        %dma_start3A_227 = tpu.memref_slice %arg4[%dma_start3A_225, %dma_start3A_226] : memref<100000x128xf32, #tpu.memory_space<hbm>> -> memref<100000x128xf32, #tpu.memory_space<hbm>>
        tpu.enqueue_indirect_dma source(%dma_start3A_227 : memref<100000x128xf32, #tpu.memory_space<hbm>>) target(%dma_start3A_222 : memref<128x128xf32, #tpu.memory_space<vmem>>) offsets(%dma_start3A_224 : memref<128xi32, #tpu.memory_space<vmem>>) semaphore(%arg18 : memref<!tpu.dma_semaphore, #tpu.memory_space<semaphore_mem>>)
        %dma_start3A_228 = arith.constant 1 : i32
        %dma_start3A_229 = arith.constant 128 : i32
        %dma_start3A_230 = arith.constant 0 : i32
        %dma_start3A_231 = tpu.memref_slice %arg14[%dma_start3A_228, %dma_start3A_229, %dma_start3A_230] : memref<2x200x128xf32, #tpu.memory_space<vmem>> -> memref<1x72x128xf32, #tpu.memory_space<vmem>>
        %dma_start3A_232 = tpu.memref_squeeze %dma_start3A_231 : memref<1x72x128xf32, #tpu.memory_space<vmem>> -> memref<72x128xf32, #tpu.memory_space<vmem>>
        %dma_start3A_233 = arith.constant 128 : i32
        %dma_start3A_234 = tpu.memref_slice %arg11[%dma_start3A_233] : memref<216xi32, #tpu.memory_space<vmem>> -> memref<72xi32, #tpu.memory_space<vmem>>
        %dma_start3A_235 = arith.constant 0 : i32
        %dma_start3A_236 = arith.constant 0 : i32
        %dma_start3A_237 = tpu.memref_slice %arg4[%dma_start3A_235, %dma_start3A_236] : memref<100000x128xf32, #tpu.memory_space<hbm>> -> memref<100000x128xf32, #tpu.memory_space<hbm>>
        tpu.enqueue_indirect_dma source(%dma_start3A_237 : memref<100000x128xf32, #tpu.memory_space<hbm>>) target(%dma_start3A_232 : memref<72x128xf32, #tpu.memory_space<vmem>>) offsets(%dma_start3A_234 : memref<72xi32, #tpu.memory_space<vmem>>) semaphore(%arg18 : memref<!tpu.dma_semaphore, #tpu.memory_space<semaphore_mem>>)
      } else {
      }
      %dma_wait3A_97 = arith.constant 0 : i32
      %dma_wait3A_98 = arith.constant 0 : i32
      %dma_wait3A_99 = arith.constant 0 : i32
      %dma_wait3A_100 = tpu.memref_slice %arg14[%dma_wait3A_97, %dma_wait3A_98, %dma_wait3A_99] : memref<2x200x128xf32, #tpu.memory_space<vmem>> -> memref<1x128x128xf32, #tpu.memory_space<vmem>>
      %dma_wait3A_101 = tpu.memref_squeeze %dma_wait3A_100 : memref<1x128x128xf32, #tpu.memory_space<vmem>> -> memref<128x128xf32, #tpu.memory_space<vmem>>
      %dma_wait3A_102 = arith.constant 0 : i32
      %dma_wait3A_103 = tpu.memref_slice %arg10[%dma_wait3A_102] : memref<216xi32, #tpu.memory_space<vmem>> -> memref<128xi32, #tpu.memory_space<vmem>>
      %dma_wait3A_104 = arith.constant 0 : i32
      %dma_wait3A_105 = arith.constant 0 : i32
      %dma_wait3A_106 = tpu.memref_slice %arg4[%dma_wait3A_104, %dma_wait3A_105] : memref<100000x128xf32, #tpu.memory_space<hbm>> -> memref<100000x128xf32, #tpu.memory_space<hbm>>
      tpu.wait_indirect_dma semaphore(%arg17 : memref<!tpu.dma_semaphore, #tpu.memory_space<semaphore_mem>>) src(%dma_wait3A_106 : memref<100000x128xf32, #tpu.memory_space<hbm>>) dst(%dma_wait3A_101 : memref<128x128xf32, #tpu.memory_space<vmem>>)
      %dma_wait3A_107 = arith.constant 0 : i32
      %dma_wait3A_108 = arith.constant 128 : i32
      %dma_wait3A_109 = arith.constant 0 : i32
      %dma_wait3A_110 = tpu.memref_slice %arg14[%dma_wait3A_107, %dma_wait3A_108, %dma_wait3A_109] : memref<2x200x128xf32, #tpu.memory_space<vmem>> -> memref<1x72x128xf32, #tpu.memory_space<vmem>>
      %dma_wait3A_111 = tpu.memref_squeeze %dma_wait3A_110 : memref<1x72x128xf32, #tpu.memory_space<vmem>> -> memref<72x128xf32, #tpu.memory_space<vmem>>
      %dma_wait3A_112 = arith.constant 128 : i32
      %dma_wait3A_113 = tpu.memref_slice %arg10[%dma_wait3A_112] : memref<216xi32, #tpu.memory_space<vmem>> -> memref<72xi32, #tpu.memory_space<vmem>>
      %dma_wait3A_114 = arith.constant 0 : i32
      %dma_wait3A_115 = arith.constant 0 : i32
      %dma_wait3A_116 = tpu.memref_slice %arg4[%dma_wait3A_114, %dma_wait3A_115] : memref<100000x128xf32, #tpu.memory_space<hbm>> -> memref<100000x128xf32, #tpu.memory_space<hbm>>
      tpu.wait_indirect_dma semaphore(%arg17 : memref<!tpu.dma_semaphore, #tpu.memory_space<semaphore_mem>>) src(%dma_wait3A_116 : memref<100000x128xf32, #tpu.memory_space<hbm>>) dst(%dma_wait3A_111 : memref<72x128xf32, #tpu.memory_space<vmem>>)
      %parallel_loop3A = arith.constant 0 : i32
      %parallel_loop3A_117 = arith.constant 200 : i32
      %parallel_loop3A_118 = arith.constant 1 : i32
      scf.for %parallel_loop3A_197 = %parallel_loop3A to %parallel_loop3A_117 step %parallel_loop3A_118  : i32 {
        %parallel_loop3A_198 = arith.index_cast %parallel_loop3A_197 : i32 to index
        %parallel_loop3A_199 = tpu.vector_load %arg12[%parallel_loop3A_198] {strides = array<i32>} : memref<216xi32, #tpu.memory_space<vmem>>, vector<16xi32>,
        %parallel_loop3A_200 = vector.shape_cast %parallel_loop3A_199 : vector<16xi32> to vector<16xi32>
        %parallel_loop3A_201 = vector.extract_strided_slice %parallel_loop3A_200 {offsets = [0], sizes = [1], strides = [1]} : vector<16xi32> to vector<1xi32>
        %parallel_loop3A_202 = vector.extract %parallel_loop3A_201[0] : i32 from vector<1xi32>
        %parallel_loop3A_203 = arith.index_cast %parallel_loop3A_202 : i32 to index
        %parallel_loop3A_204 = arith.index_cast %parallel_loop3A_197 : i32 to index
        %parallel_loop3A_205 = arith.constant 0 : index
        %parallel_loop3A_206 = tpu.vector_load %arg8[%parallel_loop3A_203, %parallel_loop3A_204, %parallel_loop3A_205] {strides = array<i32>} : memref<2x200x128xf32, #tpu.memory_space<vmem>>, vector<1x1x16xf32>,
        %parallel_loop3A_207 = vector.shape_cast %parallel_loop3A_206 : vector<1x1x16xf32> to vector<16xf32>
        %parallel_loop3A_208 = arith.constant 0 : i32
        %parallel_loop3A_209 = arith.index_cast %parallel_loop3A_208 : i32 to index
        %parallel_loop3A_210 = arith.index_cast %parallel_loop3A_197 : i32 to index
        %parallel_loop3A_211 = arith.constant 0 : index
        %parallel_loop3A_212 = tpu.vector_load %arg14[%parallel_loop3A_209, %parallel_loop3A_210, %parallel_loop3A_211] {strides = array<i32>} : memref<2x200x128xf32, #tpu.memory_space<vmem>>, vector<1x1x16xf32>,
        %parallel_loop3A_213 = vector.shape_cast %parallel_loop3A_212 : vector<1x1x16xf32> to vector<16xf32>
        %parallel_loop3A_214 = vector.shape_cast %parallel_loop3A_207 : vector<16xf32> to vector<1x1x16xf32>
        tpu.vector_store %arg14[%parallel_loop3A_209, %parallel_loop3A_210, %parallel_loop3A_211], %parallel_loop3A_214 {add = true, strides = array<i32>} : memref<2x200x128xf32, #tpu.memory_space<vmem>>, vector<1x1x16xf32>,
        %parallel_loop3A_215 = arith.index_cast %parallel_loop3A_202 : i32 to index
        %parallel_loop3A_216 = arith.index_cast %parallel_loop3A_197 : i32 to index
        %parallel_loop3A_217 = arith.constant 16 : index
        %parallel_loop3A_218 = tpu.vector_load %arg8[%parallel_loop3A_215, %parallel_loop3A_216, %parallel_loop3A_217] {strides = array<i32>} : memref<2x200x128xf32, #tpu.memory_space<vmem>>, vector<1x1x16xf32>,
        %parallel_loop3A_219 = vector.shape_cast %parallel_loop3A_218 : vector<1x1x16xf32> to vector<16xf32>
        %parallel_loop3A_220 = arith.constant 0 : i32
        %parallel_loop3A_221 = arith.index_cast %parallel_loop3A_220 : i32 to index
        %parallel_loop3A_222 = arith.index_cast %parallel_loop3A_197 : i32 to index
        %parallel_loop3A_223 = arith.constant 16 : index
        %parallel_loop3A_224 = tpu.vector_load %arg14[%parallel_loop3A_221, %parallel_loop3A_222, %parallel_loop3A_223] {strides = array<i32>} : memref<2x200x128xf32, #tpu.memory_space<vmem>>, vector<1x1x16xf32>,
        %parallel_loop3A_225 = vector.shape_cast %parallel_loop3A_224 : vector<1x1x16xf32> to vector<16xf32>
        %parallel_loop3A_226 = vector.shape_cast %parallel_loop3A_219 : vector<16xf32> to vector<1x1x16xf32>
        tpu.vector_store %arg14[%parallel_loop3A_221, %parallel_loop3A_222, %parallel_loop3A_223], %parallel_loop3A_226 {add = true, strides = array<i32>} : memref<2x200x128xf32, #tpu.memory_space<vmem>>, vector<1x1x16xf32>,
        %parallel_loop3A_227 = arith.index_cast %parallel_loop3A_202 : i32 to index
        %parallel_loop3A_228 = arith.index_cast %parallel_loop3A_197 : i32 to index
        %parallel_loop3A_229 = arith.constant 32 : index
        %parallel_loop3A_230 = tpu.vector_load %arg8[%parallel_loop3A_227, %parallel_loop3A_228, %parallel_loop3A_229] {strides = array<i32>} : memref<2x200x128xf32, #tpu.memory_space<vmem>>, vector<1x1x16xf32>,
        %parallel_loop3A_231 = vector.shape_cast %parallel_loop3A_230 : vector<1x1x16xf32> to vector<16xf32>
        %parallel_loop3A_232 = arith.constant 0 : i32
        %parallel_loop3A_233 = arith.index_cast %parallel_loop3A_232 : i32 to index
        %parallel_loop3A_234 = arith.index_cast %parallel_loop3A_197 : i32 to index
        %parallel_loop3A_235 = arith.constant 32 : index
        %parallel_loop3A_236 = tpu.vector_load %arg14[%parallel_loop3A_233, %parallel_loop3A_234, %parallel_loop3A_235] {strides = array<i32>} : memref<2x200x128xf32, #tpu.memory_space<vmem>>, vector<1x1x16xf32>,
        %parallel_loop3A_237 = vector.shape_cast %parallel_loop3A_236 : vector<1x1x16xf32> to vector<16xf32>
        %parallel_loop3A_238 = vector.shape_cast %parallel_loop3A_231 : vector<16xf32> to vector<1x1x16xf32>
        tpu.vector_store %arg14[%parallel_loop3A_233, %parallel_loop3A_234, %parallel_loop3A_235], %parallel_loop3A_238 {add = true, strides = array<i32>} : memref<2x200x128xf32, #tpu.memory_space<vmem>>, vector<1x1x16xf32>,
        %parallel_loop3A_239 = arith.index_cast %parallel_loop3A_202 : i32 to index
        %parallel_loop3A_240 = arith.index_cast %parallel_loop3A_197 : i32 to index
        %parallel_loop3A_241 = arith.constant 48 : index
        %parallel_loop3A_242 = tpu.vector_load %arg8[%parallel_loop3A_239, %parallel_loop3A_240, %parallel_loop3A_241] {strides = array<i32>} : memref<2x200x128xf32, #tpu.memory_space<vmem>>, vector<1x1x16xf32>,
        %parallel_loop3A_243 = vector.shape_cast %parallel_loop3A_242 : vector<1x1x16xf32> to vector<16xf32>
        %parallel_loop3A_244 = arith.constant 0 : i32
        %parallel_loop3A_245 = arith.index_cast %parallel_loop3A_244 : i32 to index
        %parallel_loop3A_246 = arith.index_cast %parallel_loop3A_197 : i32 to index
        %parallel_loop3A_247 = arith.constant 48 : index
        %parallel_loop3A_248 = tpu.vector_load %arg14[%parallel_loop3A_245, %parallel_loop3A_246, %parallel_loop3A_247] {strides = array<i32>} : memref<2x200x128xf32, #tpu.memory_space<vmem>>, vector<1x1x16xf32>,
        %parallel_loop3A_249 = vector.shape_cast %parallel_loop3A_248 : vector<1x1x16xf32> to vector<16xf32>
        %parallel_loop3A_250 = vector.shape_cast %parallel_loop3A_243 : vector<16xf32> to vector<1x1x16xf32>
        tpu.vector_store %arg14[%parallel_loop3A_245, %parallel_loop3A_246, %parallel_loop3A_247], %parallel_loop3A_250 {add = true, strides = array<i32>} : memref<2x200x128xf32, #tpu.memory_space<vmem>>, vector<1x1x16xf32>,
        %parallel_loop3A_251 = arith.index_cast %parallel_loop3A_202 : i32 to index
        %parallel_loop3A_252 = arith.index_cast %parallel_loop3A_197 : i32 to index
        %parallel_loop3A_253 = arith.constant 64 : index
        %parallel_loop3A_254 = tpu.vector_load %arg8[%parallel_loop3A_251, %parallel_loop3A_252, %parallel_loop3A_253] {strides = array<i32>} : memref<2x200x128xf32, #tpu.memory_space<vmem>>, vector<1x1x16xf32>,
        %parallel_loop3A_255 = vector.shape_cast %parallel_loop3A_254 : vector<1x1x16xf32> to vector<16xf32>
        %parallel_loop3A_256 = arith.constant 0 : i32
        %parallel_loop3A_257 = arith.index_cast %parallel_loop3A_256 : i32 to index
        %parallel_loop3A_258 = arith.index_cast %parallel_loop3A_197 : i32 to index
        %parallel_loop3A_259 = arith.constant 64 : index
        %parallel_loop3A_260 = tpu.vector_load %arg14[%parallel_loop3A_257, %parallel_loop3A_258, %parallel_loop3A_259] {strides = array<i32>} : memref<2x200x128xf32, #tpu.memory_space<vmem>>, vector<1x1x16xf32>,
        %parallel_loop3A_261 = vector.shape_cast %parallel_loop3A_260 : vector<1x1x16xf32> to vector<16xf32>
        %parallel_loop3A_262 = vector.shape_cast %parallel_loop3A_255 : vector<16xf32> to vector<1x1x16xf32>
        tpu.vector_store %arg14[%parallel_loop3A_257, %parallel_loop3A_258, %parallel_loop3A_259], %parallel_loop3A_262 {add = true, strides = array<i32>} : memref<2x200x128xf32, #tpu.memory_space<vmem>>, vector<1x1x16xf32>,
        %parallel_loop3A_263 = arith.index_cast %parallel_loop3A_202 : i32 to index
        %parallel_loop3A_264 = arith.index_cast %parallel_loop3A_197 : i32 to index
        %parallel_loop3A_265 = arith.constant 80 : index
        %parallel_loop3A_266 = tpu.vector_load %arg8[%parallel_loop3A_263, %parallel_loop3A_264, %parallel_loop3A_265] {strides = array<i32>} : memref<2x200x128xf32, #tpu.memory_space<vmem>>, vector<1x1x16xf32>,
        %parallel_loop3A_267 = vector.shape_cast %parallel_loop3A_266 : vector<1x1x16xf32> to vector<16xf32>
        %parallel_loop3A_268 = arith.constant 0 : i32
        %parallel_loop3A_269 = arith.index_cast %parallel_loop3A_268 : i32 to index
        %parallel_loop3A_270 = arith.index_cast %parallel_loop3A_197 : i32 to index
        %parallel_loop3A_271 = arith.constant 80 : index
        %parallel_loop3A_272 = tpu.vector_load %arg14[%parallel_loop3A_269, %parallel_loop3A_270, %parallel_loop3A_271] {strides = array<i32>} : memref<2x200x128xf32, #tpu.memory_space<vmem>>, vector<1x1x16xf32>,
        %parallel_loop3A_273 = vector.shape_cast %parallel_loop3A_272 : vector<1x1x16xf32> to vector<16xf32>
        %parallel_loop3A_274 = vector.shape_cast %parallel_loop3A_267 : vector<16xf32> to vector<1x1x16xf32>
        tpu.vector_store %arg14[%parallel_loop3A_269, %parallel_loop3A_270, %parallel_loop3A_271], %parallel_loop3A_274 {add = true, strides = array<i32>} : memref<2x200x128xf32, #tpu.memory_space<vmem>>, vector<1x1x16xf32>,
        %parallel_loop3A_275 = arith.index_cast %parallel_loop3A_202 : i32 to index
        %parallel_loop3A_276 = arith.index_cast %parallel_loop3A_197 : i32 to index
        %parallel_loop3A_277 = arith.constant 96 : index
        %parallel_loop3A_278 = tpu.vector_load %arg8[%parallel_loop3A_275, %parallel_loop3A_276, %parallel_loop3A_277] {strides = array<i32>} : memref<2x200x128xf32, #tpu.memory_space<vmem>>, vector<1x1x16xf32>,
        %parallel_loop3A_279 = vector.shape_cast %parallel_loop3A_278 : vector<1x1x16xf32> to vector<16xf32>
        %parallel_loop3A_280 = arith.constant 0 : i32
        %parallel_loop3A_281 = arith.index_cast %parallel_loop3A_280 : i32 to index
        %parallel_loop3A_282 = arith.index_cast %parallel_loop3A_197 : i32 to index
        %parallel_loop3A_283 = arith.constant 96 : index
        %parallel_loop3A_284 = tpu.vector_load %arg14[%parallel_loop3A_281, %parallel_loop3A_282, %parallel_loop3A_283] {strides = array<i32>} : memref<2x200x128xf32, #tpu.memory_space<vmem>>, vector<1x1x16xf32>,
        %parallel_loop3A_285 = vector.shape_cast %parallel_loop3A_284 : vector<1x1x16xf32> to vector<16xf32>
        %parallel_loop3A_286 = vector.shape_cast %parallel_loop3A_279 : vector<16xf32> to vector<1x1x16xf32>
        tpu.vector_store %arg14[%parallel_loop3A_281, %parallel_loop3A_282, %parallel_loop3A_283], %parallel_loop3A_286 {add = true, strides = array<i32>} : memref<2x200x128xf32, #tpu.memory_space<vmem>>, vector<1x1x16xf32>,
        %parallel_loop3A_287 = arith.index_cast %parallel_loop3A_202 : i32 to index
        %parallel_loop3A_288 = arith.index_cast %parallel_loop3A_197 : i32 to index
        %parallel_loop3A_289 = arith.constant 112 : index
        %parallel_loop3A_290 = tpu.vector_load %arg8[%parallel_loop3A_287, %parallel_loop3A_288, %parallel_loop3A_289] {strides = array<i32>} : memref<2x200x128xf32, #tpu.memory_space<vmem>>, vector<1x1x16xf32>,
        %parallel_loop3A_291 = vector.shape_cast %parallel_loop3A_290 : vector<1x1x16xf32> to vector<16xf32>
        %parallel_loop3A_292 = arith.constant 0 : i32
        %parallel_loop3A_293 = arith.index_cast %parallel_loop3A_292 : i32 to index
        %parallel_loop3A_294 = arith.index_cast %parallel_loop3A_197 : i32 to index
        %parallel_loop3A_295 = arith.constant 112 : index
        %parallel_loop3A_296 = tpu.vector_load %arg14[%parallel_loop3A_293, %parallel_loop3A_294, %parallel_loop3A_295] {strides = array<i32>} : memref<2x200x128xf32, #tpu.memory_space<vmem>>, vector<1x1x16xf32>,
        %parallel_loop3A_297 = vector.shape_cast %parallel_loop3A_296 : vector<1x1x16xf32> to vector<16xf32>
        %parallel_loop3A_298 = vector.shape_cast %parallel_loop3A_291 : vector<16xf32> to vector<1x1x16xf32>
        tpu.vector_store %arg14[%parallel_loop3A_293, %parallel_loop3A_294, %parallel_loop3A_295], %parallel_loop3A_298 {add = true, strides = array<i32>} : memref<2x200x128xf32, #tpu.memory_space<vmem>>, vector<1x1x16xf32>,
      } {sc.loop_unroll_factor = 4 : i64, sc.parallel_access}
      %mul3A_119 = arith.constant 200 : i32
      %mul3A_120 = arith.muli %add3A_92, %mul3A_119 : i32
      %add3A_121 = arith.addi %mul3A_2, %mul3A_120 : i32
      %dma_start3A_122 = arith.constant 0 : i32
      %dma_start3A_123 = arith.constant 0 : i32
      %dma_start3A_124 = arith.constant 0 : i32
      %dma_start3A_125 = tpu.memref_slice %arg14[%dma_start3A_122, %dma_start3A_123, %dma_start3A_124] : memref<2x200x128xf32, #tpu.memory_space<vmem>> -> memref<1x200x128xf32, #tpu.memory_space<vmem>>
      %dma_start3A_126 = tpu.memref_squeeze %dma_start3A_125 : memref<1x200x128xf32, #tpu.memory_space<vmem>> -> memref<200x128xf32, #tpu.memory_space<vmem>>
      %dma_start3A_127 = arith.constant 0 : i32
      %dma_start3A_128 = tpu.memref_slice %arg7[%add3A_121, %dma_start3A_127] : memref<819200x128xf32, #tpu.memory_space<hbm>> -> memref<200x128xf32, #tpu.memory_space<hbm>>
      %dma_start3A_129 = arith.constant 0 : i32
      %dma_start3A_130 = tpu.memref_slice %arg7[%add3A_121, %dma_start3A_129] : memref<819200x128xf32, #tpu.memory_space<hbm>> -> memref<200x128xf32, #tpu.memory_space<hbm>>
      %dma_start3A_131 = arith.constant 0 : i32
      %dma_start3A_132 = arith.constant 0 : i32
      %dma_start3A_133 = tpu.memref_slice %arg14[%dma_start3A_122, %dma_start3A_131, %dma_start3A_132] : memref<2x200x128xf32, #tpu.memory_space<vmem>> -> memref<1x200x128xf32, #tpu.memory_space<vmem>>
      %dma_start3A_134 = tpu.memref_squeeze %dma_start3A_133 : memref<1x200x128xf32, #tpu.memory_space<vmem>> -> memref<200x128xf32, #tpu.memory_space<vmem>>
      tpu.enqueue_dma source(%dma_start3A_134 : memref<200x128xf32, #tpu.memory_space<vmem>>) target(%dma_start3A_130 : memref<200x128xf32, #tpu.memory_space<hbm>>) target_semaphore(%arg19 : memref<!tpu.dma_semaphore, #tpu.memory_space<semaphore_mem>>)
      %add3A_135 = arith.constant 2 : i32
      %add3A_136 = arith.addi %add3A_92, %add3A_135 : i32
      %lt3A_137 = arith.constant 128 : i32
      %lt3A_138 = arith.cmpi slt, %add3A_136, %lt3A_137 : i32
      %convert_element_type3A_139 = arith.extui %lt3A_138 : i1 to i32
      %cond3A_140 = arith.constant 0 : i32
      %cond3A_141 = arith.cmpi ne, %convert_element_type3A_139, %cond3A_140 : i32
      scf.if %cond3A_141 {
        %add3A_197 = arith.constant 2 : i32
        %add3A_198 = arith.addi %add3A_92, %add3A_197 : i32
        %mul3A_199 = arith.constant 200 : i32
        %mul3A_200 = arith.muli %add3A_198, %mul3A_199 : i32
        %add3A_201 = arith.addi %mul3A_2, %mul3A_200 : i32
        %dma_start3A_202 = arith.constant 0 : i32
        %dma_start3A_203 = tpu.memref_slice %arg10[%dma_start3A_202] : memref<216xi32, #tpu.memory_space<vmem>> -> memref<200xi32, #tpu.memory_space<vmem>>
        %dma_start3A_204 = tpu.memref_slice %arg2[%add3A_201] : memref<819200xi32, #tpu.memory_space<hbm>> -> memref<200xi32, #tpu.memory_space<hbm>>
        %dma_start3A_205 = arith.constant 0 : i32
        %dma_start3A_206 = tpu.memref_slice %arg10[%dma_start3A_205] : memref<216xi32, #tpu.memory_space<vmem>> -> memref<200xi32, #tpu.memory_space<vmem>>
        %dma_start3A_207 = tpu.memref_slice %arg2[%add3A_201] : memref<819200xi32, #tpu.memory_space<hbm>> -> memref<200xi32, #tpu.memory_space<hbm>>
        tpu.enqueue_dma source(%dma_start3A_207 : memref<200xi32, #tpu.memory_space<hbm>>) target(%dma_start3A_206 : memref<200xi32, #tpu.memory_space<vmem>>) target_semaphore(%arg15 : memref<!tpu.dma_semaphore, #tpu.memory_space<semaphore_mem>>)
        %dma_start3A_208 = arith.constant 0 : i32
        %dma_start3A_209 = tpu.memref_slice %arg12[%dma_start3A_208] : memref<216xi32, #tpu.memory_space<vmem>> -> memref<200xi32, #tpu.memory_space<vmem>>
        %dma_start3A_210 = tpu.memref_slice %arg3[%add3A_201] : memref<819200xi32, #tpu.memory_space<hbm>> -> memref<200xi32, #tpu.memory_space<hbm>>
        %dma_start3A_211 = arith.constant 0 : i32
        %dma_start3A_212 = tpu.memref_slice %arg12[%dma_start3A_211] : memref<216xi32, #tpu.memory_space<vmem>> -> memref<200xi32, #tpu.memory_space<vmem>>
        %dma_start3A_213 = tpu.memref_slice %arg3[%add3A_201] : memref<819200xi32, #tpu.memory_space<hbm>> -> memref<200xi32, #tpu.memory_space<hbm>>
        tpu.enqueue_dma source(%dma_start3A_213 : memref<200xi32, #tpu.memory_space<hbm>>) target(%dma_start3A_212 : memref<200xi32, #tpu.memory_space<vmem>>) target_semaphore(%arg15 : memref<!tpu.dma_semaphore, #tpu.memory_space<semaphore_mem>>)
      } else {
      }
      %add3A_142 = arith.constant 1 : i32
      %add3A_143 = arith.addi %add3A_92, %add3A_142 : i32
      %add3A_144 = arith.constant 1 : i32
      %add3A_145 = arith.addi %add3A_143, %add3A_144 : i32
      %lt3A_146 = arith.constant 128 : i32
      %lt3A_147 = arith.cmpi slt, %add3A_145, %lt3A_146 : i32
      %convert_element_type3A_148 = arith.extui %lt3A_147 : i1 to i32
      %cond3A_149 = arith.constant 0 : i32
      %cond3A_150 = arith.cmpi ne, %convert_element_type3A_148, %cond3A_149 : i32
      scf.if %cond3A_150 {
        %add3A_197 = arith.constant 1 : i32
        %add3A_198 = arith.addi %add3A_143, %add3A_197 : i32
        %mul3A_199 = arith.constant 200 : i32
        %mul3A_200 = arith.muli %add3A_198, %mul3A_199 : i32
        %add3A_201 = arith.addi %mul3A_2, %mul3A_200 : i32
        %dma_wait3A_202 = arith.constant 0 : i32
        %dma_wait3A_203 = tpu.memref_slice %arg10[%dma_wait3A_202] : memref<216xi32, #tpu.memory_space<vmem>> -> memref<200xi32, #tpu.memory_space<vmem>>
        %dma_wait3A_204 = tpu.memref_slice %arg2[%add3A_201] : memref<819200xi32, #tpu.memory_space<hbm>> -> memref<200xi32, #tpu.memory_space<hbm>>
        %dma_wait3A_205 = arith.constant 0 : i32
        %dma_wait3A_206 = tpu.memref_slice %arg10[%dma_wait3A_205] : memref<216xi32, #tpu.memory_space<vmem>> -> memref<200xi32, #tpu.memory_space<vmem>>
        %dma_wait3A_207 = tpu.memref_slice %arg2[%add3A_201] : memref<819200xi32, #tpu.memory_space<hbm>> -> memref<200xi32, #tpu.memory_space<hbm>>
        tpu.wait_dma2 semaphore(%arg15 : memref<!tpu.dma_semaphore, #tpu.memory_space<semaphore_mem>>) src(%dma_wait3A_207 : memref<200xi32, #tpu.memory_space<hbm>>) dst(%dma_wait3A_206 : memref<200xi32, #tpu.memory_space<vmem>>)
        %dma_wait3A_208 = arith.constant 0 : i32
        %dma_wait3A_209 = tpu.memref_slice %arg12[%dma_wait3A_208] : memref<216xi32, #tpu.memory_space<vmem>> -> memref<200xi32, #tpu.memory_space<vmem>>
        %dma_wait3A_210 = tpu.memref_slice %arg3[%add3A_201] : memref<819200xi32, #tpu.memory_space<hbm>> -> memref<200xi32, #tpu.memory_space<hbm>>
        %dma_wait3A_211 = arith.constant 0 : i32
        %dma_wait3A_212 = tpu.memref_slice %arg12[%dma_wait3A_211] : memref<216xi32, #tpu.memory_space<vmem>> -> memref<200xi32, #tpu.memory_space<vmem>>
        %dma_wait3A_213 = tpu.memref_slice %arg3[%add3A_201] : memref<819200xi32, #tpu.memory_space<hbm>> -> memref<200xi32, #tpu.memory_space<hbm>>
        tpu.wait_dma2 semaphore(%arg15 : memref<!tpu.dma_semaphore, #tpu.memory_space<semaphore_mem>>) src(%dma_wait3A_213 : memref<200xi32, #tpu.memory_space<hbm>>) dst(%dma_wait3A_212 : memref<200xi32, #tpu.memory_space<vmem>>)
        %ge3A = arith.constant 1 : i32
        %ge3A_214 = arith.cmpi sge, %add3A_143, %ge3A : i32
        %convert_element_type3A_215 = arith.extui %ge3A_214 : i1 to i32
        %cond3A_216 = arith.constant 0 : i32
        %cond3A_217 = arith.cmpi ne, %convert_element_type3A_215, %cond3A_216 : i32
        scf.if %cond3A_217 {
          %sub3A = arith.constant 1 : i32
          %sub3A_238 = arith.subi %add3A_143, %sub3A : i32
          %mul3A_239 = arith.constant 200 : i32
          %mul3A_240 = arith.muli %sub3A_238, %mul3A_239 : i32
          %add3A_241 = arith.addi %mul3A_2, %mul3A_240 : i32
          %dma_wait3A_242 = arith.constant 0 : i32
          %dma_wait3A_243 = arith.constant 0 : i32
          %dma_wait3A_244 = arith.constant 0 : i32
          %dma_wait3A_245 = tpu.memref_slice %arg14[%dma_wait3A_242, %dma_wait3A_243, %dma_wait3A_244] : memref<2x200x128xf32, #tpu.memory_space<vmem>> -> memref<1x200x128xf32, #tpu.memory_space<vmem>>
          %dma_wait3A_246 = tpu.memref_squeeze %dma_wait3A_245 : memref<1x200x128xf32, #tpu.memory_space<vmem>> -> memref<200x128xf32, #tpu.memory_space<vmem>>
          %dma_wait3A_247 = arith.constant 0 : i32
          %dma_wait3A_248 = tpu.memref_slice %arg7[%add3A_241, %dma_wait3A_247] : memref<819200x128xf32, #tpu.memory_space<hbm>> -> memref<200x128xf32, #tpu.memory_space<hbm>>
          %dma_wait3A_249 = arith.constant 0 : i32
          %dma_wait3A_250 = tpu.memref_slice %arg7[%add3A_241, %dma_wait3A_249] : memref<819200x128xf32, #tpu.memory_space<hbm>> -> memref<200x128xf32, #tpu.memory_space<hbm>>
          %dma_wait3A_251 = arith.constant 0 : i32
          %dma_wait3A_252 = arith.constant 0 : i32
          %dma_wait3A_253 = tpu.memref_slice %arg14[%dma_wait3A_242, %dma_wait3A_251, %dma_wait3A_252] : memref<2x200x128xf32, #tpu.memory_space<vmem>> -> memref<1x200x128xf32, #tpu.memory_space<vmem>>
          %dma_wait3A_254 = tpu.memref_squeeze %dma_wait3A_253 : memref<1x200x128xf32, #tpu.memory_space<vmem>> -> memref<200x128xf32, #tpu.memory_space<vmem>>
          tpu.wait_dma2 semaphore(%arg19 : memref<!tpu.dma_semaphore, #tpu.memory_space<semaphore_mem>>) src(%dma_wait3A_254 : memref<200x128xf32, #tpu.memory_space<vmem>>) dst(%dma_wait3A_250 : memref<200x128xf32, #tpu.memory_space<hbm>>)
        } else {
        }
        %dma_start3A_218 = arith.constant 0 : i32
        %dma_start3A_219 = arith.constant 0 : i32
        %dma_start3A_220 = arith.constant 0 : i32
        %dma_start3A_221 = tpu.memref_slice %arg14[%dma_start3A_218, %dma_start3A_219, %dma_start3A_220] : memref<2x200x128xf32, #tpu.memory_space<vmem>> -> memref<1x128x128xf32, #tpu.memory_space<vmem>>
        %dma_start3A_222 = tpu.memref_squeeze %dma_start3A_221 : memref<1x128x128xf32, #tpu.memory_space<vmem>> -> memref<128x128xf32, #tpu.memory_space<vmem>>
        %dma_start3A_223 = arith.constant 0 : i32
        %dma_start3A_224 = tpu.memref_slice %arg10[%dma_start3A_223] : memref<216xi32, #tpu.memory_space<vmem>> -> memref<128xi32, #tpu.memory_space<vmem>>
        %dma_start3A_225 = arith.constant 0 : i32
        %dma_start3A_226 = arith.constant 0 : i32
        %dma_start3A_227 = tpu.memref_slice %arg4[%dma_start3A_225, %dma_start3A_226] : memref<100000x128xf32, #tpu.memory_space<hbm>> -> memref<100000x128xf32, #tpu.memory_space<hbm>>
        tpu.enqueue_indirect_dma source(%dma_start3A_227 : memref<100000x128xf32, #tpu.memory_space<hbm>>) target(%dma_start3A_222 : memref<128x128xf32, #tpu.memory_space<vmem>>) offsets(%dma_start3A_224 : memref<128xi32, #tpu.memory_space<vmem>>) semaphore(%arg17 : memref<!tpu.dma_semaphore, #tpu.memory_space<semaphore_mem>>)
        %dma_start3A_228 = arith.constant 0 : i32
        %dma_start3A_229 = arith.constant 128 : i32
        %dma_start3A_230 = arith.constant 0 : i32
        %dma_start3A_231 = tpu.memref_slice %arg14[%dma_start3A_228, %dma_start3A_229, %dma_start3A_230] : memref<2x200x128xf32, #tpu.memory_space<vmem>> -> memref<1x72x128xf32, #tpu.memory_space<vmem>>
        %dma_start3A_232 = tpu.memref_squeeze %dma_start3A_231 : memref<1x72x128xf32, #tpu.memory_space<vmem>> -> memref<72x128xf32, #tpu.memory_space<vmem>>
        %dma_start3A_233 = arith.constant 128 : i32
        %dma_start3A_234 = tpu.memref_slice %arg10[%dma_start3A_233] : memref<216xi32, #tpu.memory_space<vmem>> -> memref<72xi32, #tpu.memory_space<vmem>>
        %dma_start3A_235 = arith.constant 0 : i32
        %dma_start3A_236 = arith.constant 0 : i32
        %dma_start3A_237 = tpu.memref_slice %arg4[%dma_start3A_235, %dma_start3A_236] : memref<100000x128xf32, #tpu.memory_space<hbm>> -> memref<100000x128xf32, #tpu.memory_space<hbm>>
        tpu.enqueue_indirect_dma source(%dma_start3A_237 : memref<100000x128xf32, #tpu.memory_space<hbm>>) target(%dma_start3A_232 : memref<72x128xf32, #tpu.memory_space<vmem>>) offsets(%dma_start3A_234 : memref<72xi32, #tpu.memory_space<vmem>>) semaphore(%arg17 : memref<!tpu.dma_semaphore, #tpu.memory_space<semaphore_mem>>)
      } else {
      }
      %dma_wait3A_151 = arith.constant 1 : i32
      %dma_wait3A_152 = arith.constant 0 : i32
      %dma_wait3A_153 = arith.constant 0 : i32
      %dma_wait3A_154 = tpu.memref_slice %arg14[%dma_wait3A_151, %dma_wait3A_152, %dma_wait3A_153] : memref<2x200x128xf32, #tpu.memory_space<vmem>> -> memref<1x128x128xf32, #tpu.memory_space<vmem>>
      %dma_wait3A_155 = tpu.memref_squeeze %dma_wait3A_154 : memref<1x128x128xf32, #tpu.memory_space<vmem>> -> memref<128x128xf32, #tpu.memory_space<vmem>>
      %dma_wait3A_156 = arith.constant 0 : i32
      %dma_wait3A_157 = tpu.memref_slice %arg11[%dma_wait3A_156] : memref<216xi32, #tpu.memory_space<vmem>> -> memref<128xi32, #tpu.memory_space<vmem>>
      %dma_wait3A_158 = arith.constant 0 : i32
      %dma_wait3A_159 = arith.constant 0 : i32
      %dma_wait3A_160 = tpu.memref_slice %arg4[%dma_wait3A_158, %dma_wait3A_159] : memref<100000x128xf32, #tpu.memory_space<hbm>> -> memref<100000x128xf32, #tpu.memory_space<hbm>>
      tpu.wait_indirect_dma semaphore(%arg18 : memref<!tpu.dma_semaphore, #tpu.memory_space<semaphore_mem>>) src(%dma_wait3A_160 : memref<100000x128xf32, #tpu.memory_space<hbm>>) dst(%dma_wait3A_155 : memref<128x128xf32, #tpu.memory_space<vmem>>)
      %dma_wait3A_161 = arith.constant 1 : i32
      %dma_wait3A_162 = arith.constant 128 : i32
      %dma_wait3A_163 = arith.constant 0 : i32
      %dma_wait3A_164 = tpu.memref_slice %arg14[%dma_wait3A_161, %dma_wait3A_162, %dma_wait3A_163] : memref<2x200x128xf32, #tpu.memory_space<vmem>> -> memref<1x72x128xf32, #tpu.memory_space<vmem>>
      %dma_wait3A_165 = tpu.memref_squeeze %dma_wait3A_164 : memref<1x72x128xf32, #tpu.memory_space<vmem>> -> memref<72x128xf32, #tpu.memory_space<vmem>>
      %dma_wait3A_166 = arith.constant 128 : i32
      %dma_wait3A_167 = tpu.memref_slice %arg11[%dma_wait3A_166] : memref<216xi32, #tpu.memory_space<vmem>> -> memref<72xi32, #tpu.memory_space<vmem>>
      %dma_wait3A_168 = arith.constant 0 : i32
      %dma_wait3A_169 = arith.constant 0 : i32
      %dma_wait3A_170 = tpu.memref_slice %arg4[%dma_wait3A_168, %dma_wait3A_169] : memref<100000x128xf32, #tpu.memory_space<hbm>> -> memref<100000x128xf32, #tpu.memory_space<hbm>>
      tpu.wait_indirect_dma semaphore(%arg18 : memref<!tpu.dma_semaphore, #tpu.memory_space<semaphore_mem>>) src(%dma_wait3A_170 : memref<100000x128xf32, #tpu.memory_space<hbm>>) dst(%dma_wait3A_165 : memref<72x128xf32, #tpu.memory_space<vmem>>)
      %parallel_loop3A_171 = arith.constant 0 : i32
      %parallel_loop3A_172 = arith.constant 200 : i32
      %parallel_loop3A_173 = arith.constant 1 : i32
      scf.for %parallel_loop3A_197 = %parallel_loop3A_171 to %parallel_loop3A_172 step %parallel_loop3A_173  : i32 {
        %parallel_loop3A_198 = arith.index_cast %parallel_loop3A_197 : i32 to index
        %parallel_loop3A_199 = tpu.vector_load %arg13[%parallel_loop3A_198] {strides = array<i32>} : memref<216xi32, #tpu.memory_space<vmem>>, vector<16xi32>,
        %parallel_loop3A_200 = vector.shape_cast %parallel_loop3A_199 : vector<16xi32> to vector<16xi32>
        %parallel_loop3A_201 = vector.extract_strided_slice %parallel_loop3A_200 {offsets = [0], sizes = [1], strides = [1]} : vector<16xi32> to vector<1xi32>
        %parallel_loop3A_202 = vector.extract %parallel_loop3A_201[0] : i32 from vector<1xi32>
        %parallel_loop3A_203 = arith.index_cast %parallel_loop3A_202 : i32 to index
        %parallel_loop3A_204 = arith.index_cast %parallel_loop3A_197 : i32 to index
        %parallel_loop3A_205 = arith.constant 0 : index
        %parallel_loop3A_206 = tpu.vector_load %arg8[%parallel_loop3A_203, %parallel_loop3A_204, %parallel_loop3A_205] {strides = array<i32>} : memref<2x200x128xf32, #tpu.memory_space<vmem>>, vector<1x1x16xf32>,
        %parallel_loop3A_207 = vector.shape_cast %parallel_loop3A_206 : vector<1x1x16xf32> to vector<16xf32>
        %parallel_loop3A_208 = arith.constant 1 : i32
        %parallel_loop3A_209 = arith.index_cast %parallel_loop3A_208 : i32 to index
        %parallel_loop3A_210 = arith.index_cast %parallel_loop3A_197 : i32 to index
        %parallel_loop3A_211 = arith.constant 0 : index
        %parallel_loop3A_212 = tpu.vector_load %arg14[%parallel_loop3A_209, %parallel_loop3A_210, %parallel_loop3A_211] {strides = array<i32>} : memref<2x200x128xf32, #tpu.memory_space<vmem>>, vector<1x1x16xf32>,
        %parallel_loop3A_213 = vector.shape_cast %parallel_loop3A_212 : vector<1x1x16xf32> to vector<16xf32>
        %parallel_loop3A_214 = vector.shape_cast %parallel_loop3A_207 : vector<16xf32> to vector<1x1x16xf32>
        tpu.vector_store %arg14[%parallel_loop3A_209, %parallel_loop3A_210, %parallel_loop3A_211], %parallel_loop3A_214 {add = true, strides = array<i32>} : memref<2x200x128xf32, #tpu.memory_space<vmem>>, vector<1x1x16xf32>,
        %parallel_loop3A_215 = arith.index_cast %parallel_loop3A_202 : i32 to index
        %parallel_loop3A_216 = arith.index_cast %parallel_loop3A_197 : i32 to index
        %parallel_loop3A_217 = arith.constant 16 : index
        %parallel_loop3A_218 = tpu.vector_load %arg8[%parallel_loop3A_215, %parallel_loop3A_216, %parallel_loop3A_217] {strides = array<i32>} : memref<2x200x128xf32, #tpu.memory_space<vmem>>, vector<1x1x16xf32>,
        %parallel_loop3A_219 = vector.shape_cast %parallel_loop3A_218 : vector<1x1x16xf32> to vector<16xf32>
        %parallel_loop3A_220 = arith.constant 1 : i32
        %parallel_loop3A_221 = arith.index_cast %parallel_loop3A_220 : i32 to index
        %parallel_loop3A_222 = arith.index_cast %parallel_loop3A_197 : i32 to index
        %parallel_loop3A_223 = arith.constant 16 : index
        %parallel_loop3A_224 = tpu.vector_load %arg14[%parallel_loop3A_221, %parallel_loop3A_222, %parallel_loop3A_223] {strides = array<i32>} : memref<2x200x128xf32, #tpu.memory_space<vmem>>, vector<1x1x16xf32>,
        %parallel_loop3A_225 = vector.shape_cast %parallel_loop3A_224 : vector<1x1x16xf32> to vector<16xf32>
        %parallel_loop3A_226 = vector.shape_cast %parallel_loop3A_219 : vector<16xf32> to vector<1x1x16xf32>
        tpu.vector_store %arg14[%parallel_loop3A_221, %parallel_loop3A_222, %parallel_loop3A_223], %parallel_loop3A_226 {add = true, strides = array<i32>} : memref<2x200x128xf32, #tpu.memory_space<vmem>>, vector<1x1x16xf32>,
        %parallel_loop3A_227 = arith.index_cast %parallel_loop3A_202 : i32 to index
        %parallel_loop3A_228 = arith.index_cast %parallel_loop3A_197 : i32 to index
        %parallel_loop3A_229 = arith.constant 32 : index
        %parallel_loop3A_230 = tpu.vector_load %arg8[%parallel_loop3A_227, %parallel_loop3A_228, %parallel_loop3A_229] {strides = array<i32>} : memref<2x200x128xf32, #tpu.memory_space<vmem>>, vector<1x1x16xf32>,
        %parallel_loop3A_231 = vector.shape_cast %parallel_loop3A_230 : vector<1x1x16xf32> to vector<16xf32>
        %parallel_loop3A_232 = arith.constant 1 : i32
        %parallel_loop3A_233 = arith.index_cast %parallel_loop3A_232 : i32 to index
        %parallel_loop3A_234 = arith.index_cast %parallel_loop3A_197 : i32 to index
        %parallel_loop3A_235 = arith.constant 32 : index
        %parallel_loop3A_236 = tpu.vector_load %arg14[%parallel_loop3A_233, %parallel_loop3A_234, %parallel_loop3A_235] {strides = array<i32>} : memref<2x200x128xf32, #tpu.memory_space<vmem>>, vector<1x1x16xf32>,
        %parallel_loop3A_237 = vector.shape_cast %parallel_loop3A_236 : vector<1x1x16xf32> to vector<16xf32>
        %parallel_loop3A_238 = vector.shape_cast %parallel_loop3A_231 : vector<16xf32> to vector<1x1x16xf32>
        tpu.vector_store %arg14[%parallel_loop3A_233, %parallel_loop3A_234, %parallel_loop3A_235], %parallel_loop3A_238 {add = true, strides = array<i32>} : memref<2x200x128xf32, #tpu.memory_space<vmem>>, vector<1x1x16xf32>,
        %parallel_loop3A_239 = arith.index_cast %parallel_loop3A_202 : i32 to index
        %parallel_loop3A_240 = arith.index_cast %parallel_loop3A_197 : i32 to index
        %parallel_loop3A_241 = arith.constant 48 : index
        %parallel_loop3A_242 = tpu.vector_load %arg8[%parallel_loop3A_239, %parallel_loop3A_240, %parallel_loop3A_241] {strides = array<i32>} : memref<2x200x128xf32, #tpu.memory_space<vmem>>, vector<1x1x16xf32>,
        %parallel_loop3A_243 = vector.shape_cast %parallel_loop3A_242 : vector<1x1x16xf32> to vector<16xf32>
        %parallel_loop3A_244 = arith.constant 1 : i32
        %parallel_loop3A_245 = arith.index_cast %parallel_loop3A_244 : i32 to index
        %parallel_loop3A_246 = arith.index_cast %parallel_loop3A_197 : i32 to index
        %parallel_loop3A_247 = arith.constant 48 : index
        %parallel_loop3A_248 = tpu.vector_load %arg14[%parallel_loop3A_245, %parallel_loop3A_246, %parallel_loop3A_247] {strides = array<i32>} : memref<2x200x128xf32, #tpu.memory_space<vmem>>, vector<1x1x16xf32>,
        %parallel_loop3A_249 = vector.shape_cast %parallel_loop3A_248 : vector<1x1x16xf32> to vector<16xf32>
        %parallel_loop3A_250 = vector.shape_cast %parallel_loop3A_243 : vector<16xf32> to vector<1x1x16xf32>
        tpu.vector_store %arg14[%parallel_loop3A_245, %parallel_loop3A_246, %parallel_loop3A_247], %parallel_loop3A_250 {add = true, strides = array<i32>} : memref<2x200x128xf32, #tpu.memory_space<vmem>>, vector<1x1x16xf32>,
        %parallel_loop3A_251 = arith.index_cast %parallel_loop3A_202 : i32 to index
        %parallel_loop3A_252 = arith.index_cast %parallel_loop3A_197 : i32 to index
        %parallel_loop3A_253 = arith.constant 64 : index
        %parallel_loop3A_254 = tpu.vector_load %arg8[%parallel_loop3A_251, %parallel_loop3A_252, %parallel_loop3A_253] {strides = array<i32>} : memref<2x200x128xf32, #tpu.memory_space<vmem>>, vector<1x1x16xf32>,
        %parallel_loop3A_255 = vector.shape_cast %parallel_loop3A_254 : vector<1x1x16xf32> to vector<16xf32>
        %parallel_loop3A_256 = arith.constant 1 : i32
        %parallel_loop3A_257 = arith.index_cast %parallel_loop3A_256 : i32 to index
        %parallel_loop3A_258 = arith.index_cast %parallel_loop3A_197 : i32 to index
        %parallel_loop3A_259 = arith.constant 64 : index
        %parallel_loop3A_260 = tpu.vector_load %arg14[%parallel_loop3A_257, %parallel_loop3A_258, %parallel_loop3A_259] {strides = array<i32>} : memref<2x200x128xf32, #tpu.memory_space<vmem>>, vector<1x1x16xf32>,
        %parallel_loop3A_261 = vector.shape_cast %parallel_loop3A_260 : vector<1x1x16xf32> to vector<16xf32>
        %parallel_loop3A_262 = vector.shape_cast %parallel_loop3A_255 : vector<16xf32> to vector<1x1x16xf32>
        tpu.vector_store %arg14[%parallel_loop3A_257, %parallel_loop3A_258, %parallel_loop3A_259], %parallel_loop3A_262 {add = true, strides = array<i32>} : memref<2x200x128xf32, #tpu.memory_space<vmem>>, vector<1x1x16xf32>,
        %parallel_loop3A_263 = arith.index_cast %parallel_loop3A_202 : i32 to index
        %parallel_loop3A_264 = arith.index_cast %parallel_loop3A_197 : i32 to index
        %parallel_loop3A_265 = arith.constant 80 : index
        %parallel_loop3A_266 = tpu.vector_load %arg8[%parallel_loop3A_263, %parallel_loop3A_264, %parallel_loop3A_265] {strides = array<i32>} : memref<2x200x128xf32, #tpu.memory_space<vmem>>, vector<1x1x16xf32>,
        %parallel_loop3A_267 = vector.shape_cast %parallel_loop3A_266 : vector<1x1x16xf32> to vector<16xf32>
        %parallel_loop3A_268 = arith.constant 1 : i32
        %parallel_loop3A_269 = arith.index_cast %parallel_loop3A_268 : i32 to index
        %parallel_loop3A_270 = arith.index_cast %parallel_loop3A_197 : i32 to index
        %parallel_loop3A_271 = arith.constant 80 : index
        %parallel_loop3A_272 = tpu.vector_load %arg14[%parallel_loop3A_269, %parallel_loop3A_270, %parallel_loop3A_271] {strides = array<i32>} : memref<2x200x128xf32, #tpu.memory_space<vmem>>, vector<1x1x16xf32>,
        %parallel_loop3A_273 = vector.shape_cast %parallel_loop3A_272 : vector<1x1x16xf32> to vector<16xf32>
        %parallel_loop3A_274 = vector.shape_cast %parallel_loop3A_267 : vector<16xf32> to vector<1x1x16xf32>
        tpu.vector_store %arg14[%parallel_loop3A_269, %parallel_loop3A_270, %parallel_loop3A_271], %parallel_loop3A_274 {add = true, strides = array<i32>} : memref<2x200x128xf32, #tpu.memory_space<vmem>>, vector<1x1x16xf32>,
        %parallel_loop3A_275 = arith.index_cast %parallel_loop3A_202 : i32 to index
        %parallel_loop3A_276 = arith.index_cast %parallel_loop3A_197 : i32 to index
        %parallel_loop3A_277 = arith.constant 96 : index
        %parallel_loop3A_278 = tpu.vector_load %arg8[%parallel_loop3A_275, %parallel_loop3A_276, %parallel_loop3A_277] {strides = array<i32>} : memref<2x200x128xf32, #tpu.memory_space<vmem>>, vector<1x1x16xf32>,
        %parallel_loop3A_279 = vector.shape_cast %parallel_loop3A_278 : vector<1x1x16xf32> to vector<16xf32>
        %parallel_loop3A_280 = arith.constant 1 : i32
        %parallel_loop3A_281 = arith.index_cast %parallel_loop3A_280 : i32 to index
        %parallel_loop3A_282 = arith.index_cast %parallel_loop3A_197 : i32 to index
        %parallel_loop3A_283 = arith.constant 96 : index
        %parallel_loop3A_284 = tpu.vector_load %arg14[%parallel_loop3A_281, %parallel_loop3A_282, %parallel_loop3A_283] {strides = array<i32>} : memref<2x200x128xf32, #tpu.memory_space<vmem>>, vector<1x1x16xf32>,
        %parallel_loop3A_285 = vector.shape_cast %parallel_loop3A_284 : vector<1x1x16xf32> to vector<16xf32>
        %parallel_loop3A_286 = vector.shape_cast %parallel_loop3A_279 : vector<16xf32> to vector<1x1x16xf32>
        tpu.vector_store %arg14[%parallel_loop3A_281, %parallel_loop3A_282, %parallel_loop3A_283], %parallel_loop3A_286 {add = true, strides = array<i32>} : memref<2x200x128xf32, #tpu.memory_space<vmem>>, vector<1x1x16xf32>,
        %parallel_loop3A_287 = arith.index_cast %parallel_loop3A_202 : i32 to index
        %parallel_loop3A_288 = arith.index_cast %parallel_loop3A_197 : i32 to index
        %parallel_loop3A_289 = arith.constant 112 : index
        %parallel_loop3A_290 = tpu.vector_load %arg8[%parallel_loop3A_287, %parallel_loop3A_288, %parallel_loop3A_289] {strides = array<i32>} : memref<2x200x128xf32, #tpu.memory_space<vmem>>, vector<1x1x16xf32>,
        %parallel_loop3A_291 = vector.shape_cast %parallel_loop3A_290 : vector<1x1x16xf32> to vector<16xf32>
        %parallel_loop3A_292 = arith.constant 1 : i32
        %parallel_loop3A_293 = arith.index_cast %parallel_loop3A_292 : i32 to index
        %parallel_loop3A_294 = arith.index_cast %parallel_loop3A_197 : i32 to index
        %parallel_loop3A_295 = arith.constant 112 : index
        %parallel_loop3A_296 = tpu.vector_load %arg14[%parallel_loop3A_293, %parallel_loop3A_294, %parallel_loop3A_295] {strides = array<i32>} : memref<2x200x128xf32, #tpu.memory_space<vmem>>, vector<1x1x16xf32>,
        %parallel_loop3A_297 = vector.shape_cast %parallel_loop3A_296 : vector<1x1x16xf32> to vector<16xf32>
        %parallel_loop3A_298 = vector.shape_cast %parallel_loop3A_291 : vector<16xf32> to vector<1x1x16xf32>
        tpu.vector_store %arg14[%parallel_loop3A_293, %parallel_loop3A_294, %parallel_loop3A_295], %parallel_loop3A_298 {add = true, strides = array<i32>} : memref<2x200x128xf32, #tpu.memory_space<vmem>>, vector<1x1x16xf32>,
      } {sc.loop_unroll_factor = 4 : i64, sc.parallel_access}
      %mul3A_174 = arith.constant 200 : i32
      %mul3A_175 = arith.muli %add3A_143, %mul3A_174 : i32
      %add3A_176 = arith.addi %mul3A_2, %mul3A_175 : i32
      %dma_start3A_177 = arith.constant 1 : i32
      %dma_start3A_178 = arith.constant 0 : i32
      %dma_start3A_179 = arith.constant 0 : i32
      %dma_start3A_180 = tpu.memref_slice %arg14[%dma_start3A_177, %dma_start3A_178, %dma_start3A_179] : memref<2x200x128xf32, #tpu.memory_space<vmem>> -> memref<1x200x128xf32, #tpu.memory_space<vmem>>
      %dma_start3A_181 = tpu.memref_squeeze %dma_start3A_180 : memref<1x200x128xf32, #tpu.memory_space<vmem>> -> memref<200x128xf32, #tpu.memory_space<vmem>>
      %dma_start3A_182 = arith.constant 0 : i32
      %dma_start3A_183 = tpu.memref_slice %arg7[%add3A_176, %dma_start3A_182] : memref<819200x128xf32, #tpu.memory_space<hbm>> -> memref<200x128xf32, #tpu.memory_space<hbm>>
      %dma_start3A_184 = arith.constant 0 : i32
      %dma_start3A_185 = tpu.memref_slice %arg7[%add3A_176, %dma_start3A_184] : memref<819200x128xf32, #tpu.memory_space<hbm>> -> memref<200x128xf32, #tpu.memory_space<hbm>>
      %dma_start3A_186 = arith.constant 0 : i32
      %dma_start3A_187 = arith.constant 0 : i32
      %dma_start3A_188 = tpu.memref_slice %arg14[%dma_start3A_177, %dma_start3A_186, %dma_start3A_187] : memref<2x200x128xf32, #tpu.memory_space<vmem>> -> memref<1x200x128xf32, #tpu.memory_space<vmem>>
      %dma_start3A_189 = tpu.memref_squeeze %dma_start3A_188 : memref<1x200x128xf32, #tpu.memory_space<vmem>> -> memref<200x128xf32, #tpu.memory_space<vmem>>
      tpu.enqueue_dma source(%dma_start3A_189 : memref<200x128xf32, #tpu.memory_space<vmem>>) target(%dma_start3A_185 : memref<200x128xf32, #tpu.memory_space<hbm>>) target_semaphore(%arg20 : memref<!tpu.dma_semaphore, #tpu.memory_space<semaphore_mem>>)
      %add3A_190 = arith.constant 2 : i32
      %add3A_191 = arith.addi %add3A_143, %add3A_190 : i32
      %lt3A_192 = arith.constant 128 : i32
      %lt3A_193 = arith.cmpi slt, %add3A_191, %lt3A_192 : i32
      %convert_element_type3A_194 = arith.extui %lt3A_193 : i1 to i32
      %cond3A_195 = arith.constant 0 : i32
      %cond3A_196 = arith.cmpi ne, %convert_element_type3A_194, %cond3A_195 : i32
      scf.if %cond3A_196 {
        %add3A_197 = arith.constant 2 : i32
        %add3A_198 = arith.addi %add3A_143, %add3A_197 : i32
        %mul3A_199 = arith.constant 200 : i32
        %mul3A_200 = arith.muli %add3A_198, %mul3A_199 : i32
        %add3A_201 = arith.addi %mul3A_2, %mul3A_200 : i32
        %dma_start3A_202 = arith.constant 0 : i32
        %dma_start3A_203 = tpu.memref_slice %arg11[%dma_start3A_202] : memref<216xi32, #tpu.memory_space<vmem>> -> memref<200xi32, #tpu.memory_space<vmem>>
        %dma_start3A_204 = tpu.memref_slice %arg2[%add3A_201] : memref<819200xi32, #tpu.memory_space<hbm>> -> memref<200xi32, #tpu.memory_space<hbm>>
        %dma_start3A_205 = arith.constant 0 : i32
        %dma_start3A_206 = tpu.memref_slice %arg11[%dma_start3A_205] : memref<216xi32, #tpu.memory_space<vmem>> -> memref<200xi32, #tpu.memory_space<vmem>>
        %dma_start3A_207 = tpu.memref_slice %arg2[%add3A_201] : memref<819200xi32, #tpu.memory_space<hbm>> -> memref<200xi32, #tpu.memory_space<hbm>>
        tpu.enqueue_dma source(%dma_start3A_207 : memref<200xi32, #tpu.memory_space<hbm>>) target(%dma_start3A_206 : memref<200xi32, #tpu.memory_space<vmem>>) target_semaphore(%arg16 : memref<!tpu.dma_semaphore, #tpu.memory_space<semaphore_mem>>)
        %dma_start3A_208 = arith.constant 0 : i32
        %dma_start3A_209 = tpu.memref_slice %arg13[%dma_start3A_208] : memref<216xi32, #tpu.memory_space<vmem>> -> memref<200xi32, #tpu.memory_space<vmem>>
        %dma_start3A_210 = tpu.memref_slice %arg3[%add3A_201] : memref<819200xi32, #tpu.memory_space<hbm>> -> memref<200xi32, #tpu.memory_space<hbm>>
        %dma_start3A_211 = arith.constant 0 : i32
        %dma_start3A_212 = tpu.memref_slice %arg13[%dma_start3A_211] : memref<216xi32, #tpu.memory_space<vmem>> -> memref<200xi32, #tpu.memory_space<vmem>>
        %dma_start3A_213 = tpu.memref_slice %arg3[%add3A_201] : memref<819200xi32, #tpu.memory_space<hbm>> -> memref<200xi32, #tpu.memory_space<hbm>>
        tpu.enqueue_dma source(%dma_start3A_213 : memref<200xi32, #tpu.memory_space<hbm>>) target(%dma_start3A_212 : memref<200xi32, #tpu.memory_space<vmem>>) target_semaphore(%arg16 : memref<!tpu.dma_semaphore, #tpu.memory_space<semaphore_mem>>)
      } else {
      }
    }
    %scan3A_72 = arith.constant 64 : i32
    %add3A_73 = arith.constant 25400 : i32
    %add3A_74 = arith.addi %mul3A_2, %add3A_73 : i32
    %dma_wait3A_75 = arith.constant 1 : i32
    %dma_wait3A_76 = arith.constant 0 : i32
    %dma_wait3A_77 = arith.constant 0 : i32
    %dma_wait3A_78 = tpu.memref_slice %arg14[%dma_wait3A_75, %dma_wait3A_76, %dma_wait3A_77] : memref<2x200x128xf32, #tpu.memory_space<vmem>> -> memref<1x200x128xf32, #tpu.memory_space<vmem>>
    %dma_wait3A_79 = tpu.memref_squeeze %dma_wait3A_78 : memref<1x200x128xf32, #tpu.memory_space<vmem>> -> memref<200x128xf32, #tpu.memory_space<vmem>>
    %dma_wait3A_80 = arith.constant 0 : i32
    %dma_wait3A_81 = tpu.memref_slice %arg7[%add3A_74, %dma_wait3A_80] : memref<819200x128xf32, #tpu.memory_space<hbm>> -> memref<200x128xf32, #tpu.memory_space<hbm>>
    %dma_wait3A_82 = arith.constant 0 : i32
    %dma_wait3A_83 = tpu.memref_slice %arg7[%add3A_74, %dma_wait3A_82] : memref<819200x128xf32, #tpu.memory_space<hbm>> -> memref<200x128xf32, #tpu.memory_space<hbm>>
    %dma_wait3A_84 = arith.constant 0 : i32
    %dma_wait3A_85 = arith.constant 0 : i32
    %dma_wait3A_86 = tpu.memref_slice %arg14[%dma_wait3A_75, %dma_wait3A_84, %dma_wait3A_85] : memref<2x200x128xf32, #tpu.memory_space<vmem>> -> memref<1x200x128xf32, #tpu.memory_space<vmem>>
    %dma_wait3A_87 = tpu.memref_squeeze %dma_wait3A_86 : memref<1x200x128xf32, #tpu.memory_space<vmem>> -> memref<200x128xf32, #tpu.memory_space<vmem>>
    tpu.wait_dma2 semaphore(%arg20 : memref<!tpu.dma_semaphore, #tpu.memory_space<semaphore_mem>>) src(%dma_wait3A_87 : memref<200x128xf32, #tpu.memory_space<vmem>>) dst(%dma_wait3A_83 : memref<200x128xf32, #tpu.memory_space<hbm>>)
    return
  }
}

</mosaic_0001>

<sc_bundles>
// kernel: kernel.3.cloned.1.call-start
scs
__scs_entry_jumppad:
0x0: {  	(pc) =	sbr.rel $0x88, $3  }
0x1: {  	(tag) =	ssettag $0x0;
	lr =	simm.s32 $0x1  }
0x2: {  	[smem:$0x3F9C] =	sst lr;
	_ =	strace $0xD0000000  }
0x3: {  	_ = 	snop  }
0x4: {  	_ = 	snop  }
0x5: {  	_ = 	snop  }
0x6: {  	_ = 	snop  }
0x7: {  	_ = 	snop  }
__scs_overlays_trampoline_lowered:
0x8: {  	[smem:$0x3FAB] =	sst s0  }
0x9: {  	[smem:$0x3FAC] =	sst s1  }
0xa: {  	[smem:$0x3FAD] =	sst s2  }
0xb: {  	[smem:$0x3FAE] =	sst s3  }
0xc: {  	[smem:$0x3FAF] =	sst s4  }
0xd: {  	[smem:$0x3FB0] =	sst s5  }
0xe: {  	[smem:$0x3FB1] =	sst s6  }
0xf: {  	[smem:$0x3FB2] =	sst s7  }
0x10: {  	[smem:$0x3FB3] =	sst s8  }
0x11: {  	[smem:$0x3FB4] =	sst s9;
	s0 =	simm.s32 @!p0 $0x0  }
0x12: {  	s1 =	sld [smem:$0x3F9A];
	s0 =	simm.s32 @p0 $0x1  }
0x13: {  	[smem:$0x3FB5] =	sst s0;
	s0 =	simm.s32 @!p1 $0x0  }
0x14: {  	s2 =	sld [smem:$0x3F99];
	s0 =	simm.s32 @p1 $0x1  }
0x15: {  	[smem:$0x3FB6] =	sst s0;
	s0 =	simm.s32 @!p2 $0x0  }
0x16: {  	s3 =	sld [smem:$0x3FDB];
	s0 =	simm.s32 @p2 $0x1  }
0x17: {  	s4 =	simm.s32 $0x1BF5;
	[smem:$0x3FB8] =	sst s0  }
0x18: {  	s0 =	sld [smem:$0x3F9B];
	_ =	swait.ge [sflag:s4], $0x0  }
0x19: {  	s7 =	sld [smem:$0x3F9C]  }
0x1a: {  	s8 =	sadd.s32 $0xFFFFE003, lr  }
0x1b: {  	s9 =	sadd.s32 $0xFFFFFEF7, lr;
	s5 =	simm.s32 $0xFFFFFFFF;
	p2 =	slt.u32 s8, $0xFFFFF086  }
0x1c: {  	p1 =	slt.u32 s9, $0xF7A;
	s5 =	simm.s32 @!p2 $0x0  }
0x1d: {  	s5 =	simm.s32 @p1 $0x1;
	p0 =	seq.s32 s7, s2  }
0x1e: {  	s7 =	smul.u32 @!p0 $0xF7A, s2;
	p2 =	seq.s32 @!p0 s5, $0x0  }
0x1f: {  	s9 =	smul.u32 $0xF7A, s1;
	s8 =	simm.s32 @!p0 $0x1BF5;
	p2 =	por !p2, p0  }
0x20: {  	[sflag:s8] =	ssyncset.s32 @!p0 $0xFFFFF086;
	s6 =	sadd.s32 @!p0 s3, s7;
	s7 =	simm.s32 @!p0 $0x108  }
0x21: {  	s3 =	sadd.s32 s3, s9;
	s6 =	sadd.s32 @!p0 $0x88, s6;
	s7 =	simm.s32 @p2 $0x1082  }
0x22: {  	[simem:s7], [sflag:s8] =	dma.local @!p0 [hbm:s6], $0xF7A  }
0x23: {  	s9 =	sor.u32 $0xD0000000, s2;
	s6 =	simm.s32 $0x108;
	_ =	swait.ge @!p0 [sflag:s8], $0x0  }
0x24: {  	s3 =	sadd.s32 $0x88, s3;
	s6 =	simm.s32 @!p1 $0x1082;
	[sflag:s4] =	ssyncset.s32 $0xFFFFF086  }
0x25: {  	[simem:s6], [sflag:s4] =	dma.local [hbm:s3], $0xF7A  }
0x26: {  	[smem:$0x3F9C] =	sst s1;
	(tag) =	ssettag s2;
	_ =	strace s9  }
0x27: {  	s1 =	sld [smem:$0x3FAC]  }
0x28: {  	s2 =	sld [smem:$0x3FAD]  }
0x29: {  	s4 =	sld [smem:$0x3FAF]  }
0x2a: {  	p0 =	seq.s32 s5, $0x0;
	s5 =	sld [smem:$0x3FB0]  }
0x2b: {  	s6 =	sld [smem:$0x3FB1]  }
0x2c: {  	s7 =	sld [smem:$0x3FB2]  }
0x2d: {  	s3 =	simm.s32 $0x108;
	s8 =	sld [smem:$0x3FB3]  }
0x2e: {  	s3 =	simm.s32 @!p0 $0x1082;
	s9 =	sld [smem:$0x3FB4]  }
0x2f: {  	lr =	sadd.s32 s0, s3;
	s0 =	sld [smem:$0x3FAB]  }
0x30: {  	s3 =	sld [smem:$0x3FAE]  }
0x31: {  	[smem:$0x3FB7] =	sst s10  }
0x32: {  	s10 =	sld [smem:$0x3FB5];
	_ =	sdelay $0x3  }
0x33: {  	p0 =	seq.s32 s10, $0x1;
	s10 =	sld [smem:$0x3FB7];
	_ =	sdelay $0x3  }
0x34: {  	[smem:$0x3FB7] =	sst s10  }
0x35: {  	s10 =	sld [smem:$0x3FB6];
	_ =	sdelay $0x3  }
0x36: {  	p1 =	seq.s32 s10, $0x1;
	s10 =	sld [smem:$0x3FB7];
	_ =	sdelay $0x3  }
0x37: {  	[smem:$0x3FB7] =	sst s10  }
0x38: {  	s10 =	sld [smem:$0x3FB8]  }
0x39: {  	_ = 	snop;
	(pc) =	sbr.ind lr, $3  }
0x3a: {  	_ = 	snop  }
0x3b: {  	_ = 	snop  }
0x3c: {  	p2 =	seq.s32 s10, $0x1;
	s10 =	sld [smem:$0x3FB7]  }
0x3d: {  	_ =	shalt  }
0x3e: {  	_ =	shalt  }
0x3f: {  	_ =	shalt  }
0x40: {  	_ =	shalt  }
0x41: {  	_ =	shalt  }
0x42: {  	_ =	shalt  }
0x43: {  	_ =	shalt  }
0x44: {  	_ =	shalt  }
0x45: {  	_ =	shalt  }
0x46: {  	_ =	shalt  }
0x47: {  	_ =	shalt  }
0x48: {  	_ =	shalt  }
0x49: {  	_ =	shalt  }
0x4a: {  	_ =	shalt  }
0x4b: {  	_ =	shalt  }
0x4c: {  	_ =	shalt  }
0x4d: {  	_ =	shalt  }
0x4e: {  	_ =	shalt  }
0x4f: {  	_ =	shalt  }
0x50: {  	_ =	shalt  }
0x51: {  	_ =	shalt  }
0x52: {  	_ =	shalt  }
0x53: {  	_ =	shalt  }
0x54: {  	_ =	shalt  }
0x55: {  	_ =	shalt  }
0x56: {  	_ =	shalt  }
0x57: {  	_ =	shalt  }
0x58: {  	_ =	shalt  }
0x59: {  	_ =	shalt  }
0x5a: {  	_ =	shalt  }
0x5b: {  	_ =	shalt  }
0x5c: {  	_ =	shalt  }
0x5d: {  	_ =	shalt  }
0x5e: {  	_ =	shalt  }
0x5f: {  	_ =	shalt  }
0x60: {  	_ =	shalt  }
0x61: {  	_ =	shalt  }
0x62: {  	_ =	shalt  }
0x63: {  	_ =	shalt  }
0x64: {  	_ =	shalt  }
0x65: {  	_ =	shalt  }
0x66: {  	_ =	shalt  }
0x67: {  	_ =	shalt  }
0x68: {  	_ =	shalt  }
0x69: {  	_ =	shalt  }
0x6a: {  	_ =	shalt  }
0x6b: {  	_ =	shalt  }
0x6c: {  	_ =	shalt  }
0x6d: {  	_ =	shalt  }
0x6e: {  	_ =	shalt  }
0x6f: {  	_ =	shalt  }
0x70: {  	_ =	shalt  }
0x71: {  	_ =	shalt  }
0x72: {  	_ =	shalt  }
0x73: {  	_ =	shalt  }
0x74: {  	_ =	shalt  }
0x75: {  	_ =	shalt  }
0x76: {  	_ =	shalt  }
0x77: {  	_ =	shalt  }
0x78: {  	_ =	shalt  }
0x79: {  	_ =	shalt  }
0x7a: {  	_ =	shalt  }
0x7b: {  	_ =	shalt  }
0x7c: {  	_ =	shalt  }
0x7d: {  	_ =	shalt  }
0x7e: {  	_ =	shalt  }
0x7f: {  	_ =	shalt  }
0x80: {  	_ =	shalt  }
0x81: {  	_ =	shalt  }
0x82: {  	_ =	shalt  }
0x83: {  	_ =	shalt  }
0x84: {  	_ =	shalt  }
0x85: {  	_ =	shalt  }
0x86: {  	_ =	shalt  }
0x87: {  	_ =	shalt  }
.Lfunc_end0:
.L_simem_size_0:
called_computation_lowered:
.L_overlay_start_0:
0x88: {  	s2 =	sld [smem:$0x3FD9]  }
0x89: {  	s3 =	sld [smem:$0x3FFE];
	_ =	sdelay $0x1  }
0x8a: {  	s1 =	srdreg.scid  }
0x8b: {  	s0 =	sand.u32 $0x1, s1  }
0x8c: {  	s17 =	sshll.u32 s0, $0xA;
	s2 =	sadd.s32 s3, s2  }
0x8d: {  	s2 =	sadd.s32 s2, s17  }
0x8e: {  	[smem:$0x3FC3] =	sst s2  }
0x8f: {  	_ = 	snop  }
0x90: {  	s2 =	sld [smem:$0x3FC7]  }
0x91: {  	s18 =	sld [smem:$0x3FC6]  }
0x92: {  	s4 =	sld [smem:$0x3FC5]  }
0x93: {  	s5 =	sld [smem:$0x3FD0];
	(tm) =	ssettm $0x1  }
0x94: {  	s6 =	sld [smem:$0x3FFB];
	_ =	sdelay $0x3  }
0x95: {  	_ =	strace s6  }
0x96: {  	s6 =	sld [smem:$0x3FFC];
	_ =	sdelay $0x3  }
0x97: {  	_ =	strace s6  }
0x98: {  	s6 =	sld [smem:$0x3FFD];
	_ =	sdelay $0x3  }
0x99: {  	_ =	strace s6  }
0x9a: {  	_ =	strace $0x8FFFFFFF  }
0x9b: {  	s19 =	sld [smem:$0x3FDB];
	_ =	sdelay $0x1  }
0x9c: {  	s7 =	simm.s32 $_scs_section_size  }
0x9d: {  	s8 =	simm.s32 $_size__tile_overlayer_lowered;
	s9 =	simm.s32 $_tile_overlayer_lowered  }
0x9e: {  	s22 =	simm.s32 $0x1BFF;
	s21 =	sshll.u32 s9, $0x1;
	s6 =	sadd.s32 s7, s19  }
0x9f: {  	s10 =	simm.s32 $0x0;
	s20 =	sshll.u32 s8, $0x1;
	s8 =	sadd.s32 s21, s6  }
0xa0: {  	[timem:s10], [sflag:s22] =	dma.local [hbm:s8], s20  }
0xa1: {  	_ =	swait.ge [sflag:s22], s20  }
0xa2: {  	s7 =	ssub.s32 $0x0, s20;
	[sflag:s22] =	ssyncset.done $0x0  }
0xa3: {  	[sflag:s22] =	ssyncadd.s32 s7;
	_ =	sdelay $0x1  }
0xa4: {  	s23 =	simm.s32 $0x1B8B  }
0xa5: {  	_ =	swait.ge [sflag:s23], $0x1  }
0xa6: {  	[sflag:s23] =	ssyncset.done $0x0  }
0xa7: {  	s25 =	simm.s32 $0x1B8E;
	s24 =	sld [smem:$0x3FFE];
	[sflag:s23] =	ssyncadd.s32 $0xFFFFFFFF  }
0xa8: {  	s26 =	simm.s32 $execute0_lowered;
	[smem:$0x3FD2] =	sst s25  }
0xa9: {  	s8 =	sshll.u32 s26, $0x1;
	_ =	strace $0x80000046;
	[dreg:$0x1] =	wrdreg $0xFFFFFFFF  }
0xaa: {  	s28 =	simm.s32 $_size_execute0_lowered;
	s6 =	sadd.s32 s6, s8;
	[dreg:$0x0] =	wrdreg $0x0  }
0xab: {  	s8 =	sshll.u32 s28, $0x1;
	[dreg:$0x2] =	wrdreg s6  }
0xac: {  	[dreg:$0x3] =	wrdreg s8  }
0xad: {  	[dreg:$0x4] =	wrdreg $0xC0  }
0xae: {  	_ =	task [dreg:s10], $0x5FFFF  }
0xaf: {  	[dreg:$0x1] =	wrdreg $0xFFFFFFFF  }
0xb0: {  	[dreg:$0x0] =	wrdreg $0x60  }
0xb1: {  	[dreg:$0x2] =	wrdreg s24  }
0xb2: {  	[dreg:$0x3] =	wrdreg s2  }
0xb3: {  	[dreg:$0x4] =	wrdreg s18  }
0xb4: {  	[dreg:$0x5] =	wrdreg s4  }
0xb5: {  	[dreg:$0x6] =	wrdreg s5  }
0xb6: {  	[dreg:$0x7] =	wrdreg $0x9  }
0xb7: {  	_ =	task.clear_ibuf [dreg:s10], $0x8FFFF;
	_ =	strace $0x90000046  }
0xb8: {  	s29 =	simm.s32 $0x9;
	_ =	strace $0x80000048  }
0xb9: {  	_ =	swait.ge [sflag:s29], $0x1  }
0xba: {  	[sflag:s29] =	ssyncadd.s32 $0xFFFFFFFF  }
0xbb: {  	_ =	strace $0x90000048  }
0xbc: {  	_ =	sfence  }
0xbd: {  	s30 =	sld [smem:$0x0];
	_ =	sdelay $0x2  }
0xbe: {  	s31 =	sshll.u32 s1, $0xD;
	s1 =	sshrl.u32 s1, $0x2  }
0xbf: {  	s3 =	sand.u32 $0x4000, s31;
	s1 =	sadd.s32 s1, s30  }
0xc0: {  	s0 =	sor.u32 s3, s0;
	s1 =	sshll.u32 s1, $0x11  }
0xc1: {  	s0 =	sor.u32 s1, s0  }
0xc2: {  	s0 =	sadd.s32 $0x8F2B, s0  }
0xc3: {  	[sflag:s0] =	ssyncadd.remote.s32 $0x1  }
0xc4: {  	_ =	sfence.sel $0xFFFF  }
0xc5: {  	[dreg:$0x0] =	wrdreg $0xFFFFFFFF;
	(pc) =	sbr.abs _section_cstart, $3  }
0xc6: {  	[dreg:$0x1] =	wrdreg $0xFFFFFFFF  }
0xc7: {  	_ =	task.clear_ibuf [dreg:s10], $0x2FFFF;
	_ =	strace $0x9FFFFFFF  }
0xc8: {  	(tm) =	ssettm $0x7FFFFFFF  }
0xc9: {  	_ =	shalt  }
tec
execute0_lowered:
.L_overlay_start_1:
0x0: {  	(tag) =	ssettag $0x1  }
0x1: {  	s1 =	rddreg [dreg:$0x0]  }
0x2: {  	s0 =	rddreg [dreg:$0x1];
	s2 =	srdreg.scid  }
0x3: {  	s5 =	rddreg [dreg:$0x4];
	s4 =	stileid.u32  }
0x4: {  	s6 =	simm.s32 $0x0;
	s22 =	simm.s32 $0xCD00;
	s23 =	simm.s32 $0x48  }
0x5: {  	s24 =	simm.s32 $0x3;
	s10 =	simm.s32 $0x0;
	s2 =	sand.u32 $0x1, s2  }
0x6: {  	[smem:$0x7FF] =	sst s6;
	s8 =	sadd.s32 $0x600, s1;
	s3 =	sshll.u32 s2, $0x4  }
0x7: {  	s9 =	sadd.s32 $0x19600, s1;
	s2 =	ssub.s32 $0x2, s2;
	s3 =	sor.u32 s4, s3  }
0x8: {  	_ =	strace $0x80000047;
	s25 =	sshrl.u32 s2, $0x1;
	s7 =	smul.u32 $0x6400, s3  }
0x9: {  	s26 =	ssub.s32 s2, s25;
	s3 =	simm.s32 $0x13100;
	s25 =	simm.s32 $0x4  }
0xa: {  	s1 =	smax.u32 s26, $0x1;
	s26 =	simm.s32 $0xCA00;
	s28 =	sshrl.u32 s7, $0x3  }
.Ltmp0:
0xb: {  	[dreg:$0xa] =	wrdreg s1;
	s29 =	sadd.s32 s8, s28;
	(pc) =	sbr.rel .LBB2_1-.Ltmp0, $4  }
0xc: {  	s30 =	sadd.s32 s9, s28;
	s2 =	sor.u32 $0x19, s28;
	[dreg:$0x6] =	wrdreg s29  }
0xd: {  	s14 =	sor.u32 $0x190, s7;
	[dreg:$0x7] =	wrdreg s30;
	s31 =	sadd.s32 s8, s2  }
0xe: {  	s15 =	sor.u32 $0xC8, s7;
	s2 =	sadd.s32 s9, s2;
	[dreg:$0x8] =	wrdreg s31  }
0xf: {  	s16 =	sor.u32 $0x258, s7;
	[dreg:$0x9] =	wrdreg s2;
	s2 =	simm.s32 $0x2  }
.LBB2_10:
0x10: {  	s4 =	simm.s32 $0x6  }
0x11: {  	_ =	swait.ge [sflag:s4], $0x6400  }
0x12: {  	s10 =	rddreg [dreg:$0xb]  }
0x13: {  	s1 =	rddreg [dreg:$0xa];
	s10 =	sadd.s32 $0x1, s10  }
0x14: {  	p0 =	sne.s32 s10, s1  }
.Ltmp1:
0x15: {  	_ = 	snop;
	(pc) =	sbr.rel @!p0 .LBB2_11-.Ltmp1, $3  }
0x16: {  	_ =	sdelay $0x1  }
0x17: {  	[sflag:s4] =	ssyncset.done $0x0  }
0x18: {  	[sflag:s4] =	ssyncadd.s32 $0xFFFF9C00  }
.LBB2_1:
0x19: {  	[dreg:$0xb] =	wrdreg s10  }
0x1a: {  	s1 =	rddreg [dreg:$0x6];
	s4 =	simm.s32 $0xC900  }
0x1b: {  	[tilespmem:s4], [sflag:$0x1] =	stream.linear.gather [hbm4b:s1+s6], $0xC8, $0x38;
	[tilespmem:$0x19500] =	vst v63  }
0x1c: {  	s30 =	rddreg [dreg:$0x7];
	s31 =	simm.s32 $0xCB00;
	s11 =	simm.s32 $0x1  }
0x1d: {  	[tilespmem:s31], [sflag:$0x1] =	stream.linear.gather [hbm4b:s30+s6], $0xC8, $0x38;
	[tilespmem:$0x19500] =	vst v63  }
0x1e: {  	_ =	swait.ge [sflag:s11], $0xC8  }
0x1f: {  	[sflag:s11] =	ssyncset.done $0x0  }
0x20: {  	[sflag:s11] =	ssyncadd.s32 $0xFFFFFF38  }
0x21: {  	_ =	swait.ge [sflag:s11], $0xC8  }
0x22: {  	[sflag:s11] =	ssyncset.done $0x0  }
0x23: {  	s12 =	simm.s32 $0x80;
	[sflag:s11] =	ssyncadd.s32 $0xFFFFFF38  }
0x24: {  	[tilespmem:s22], [sflag:$0x3] =	stream.indirect.gather [hbm4b:s0+s12], $0x80, s4, s12, $0xb8;
	[tilespmem:$0x19500] =	vst v63  }
0x25: {  	s13 =	simm.s32 $0xC980;
	s17 =	simm.s32 $0x10D00  }
0x26: {  	[tilespmem:s17], [sflag:$0x3] =	stream.indirect.gather [hbm4b:s0+s23], $0x80, s13, s23, $0xb8;
	[tilespmem:$0x19500] =	vst v63  }
0x27: {  	s18 =	rddreg [dreg:$0x8]  }
0x28: {  	[tilespmem:s26], [sflag:$0x2] =	stream.linear.gather [hbm4b:s18+s6], $0xC8, $0x38;
	[tilespmem:$0x19500] =	vst v63  }
0x29: {  	s20 =	simm.s32 $0xCC00;
	s19 =	rddreg [dreg:$0x9]  }
0x2a: {  	[tilespmem:s20], [sflag:$0x2] =	stream.linear.gather [hbm4b:s19+s6], $0xC8, $0x38;
	[tilespmem:$0x19500] =	vst v63  }
0x2b: {  	s28 =	simm.s32 $0x7;
	s21 =	rddreg [dreg:$0x2]  }
0x2c: {  	[tilespmem:s6], [sflag:$0x7] =	stream.linear.gather [hbm4b:s21+s6], $0x6400, $0x38;
	[tilespmem:$0x19500] =	vst v63  }
0x2d: {  	_ =	swait.ge [sflag:s28], $0x6400  }
0x2e: {  	[sflag:s28] =	ssyncset.done $0x0  }
0x2f: {  	s29 =	simm.s32 $0x6400;
	[sflag:s28] =	ssyncadd.s32 $0xFFFF9C00  }
0x30: {  	[tilespmem:s29], [sflag:$0x7] =	stream.linear.gather [hbm4b:s21+s6], $0x6400, $0x38;
	[tilespmem:$0x19500] =	vst v63  }
0x31: {  	_ =	swait.ge [sflag:s28], $0x6400  }
0x32: {  	[sflag:s28] =	ssyncset.done $0x0  }
0x33: {  	[sflag:s28] =	ssyncadd.s32 $0xFFFF9C00  }
0x34: {  	s31 =	simm.s32 $0xC800;
	s30 =	rddreg [dreg:$0x3]  }
0x35: {  	[tilespmem:s31], [sflag:$0x7] =	stream.linear.gather [hbm4b:s30+s6], $0x100, $0x38;
	[tilespmem:$0x19500] =	vst v63  }
0x36: {  	_ =	swait.ge [sflag:s28], $0x100  }
0x37: {  	[sflag:s28] =	ssyncset.done $0x0  }
0x38: {  	s1 =	simm.s32 $0x0;
	[sflag:s28] =	ssyncadd.s32 $0xFFFFFF00  }
0x39: {  	s10 =	simm.s32 $0x200;
	v0 =	vld [tilespmem:s1+$0x0]  }
.LBB2_2:
0x3a: {  	p0 =	sne.s32 s10, $0x18E00;
	v1 =	vld [tilespmem:$0xC800];
	_ =	sdelay $0x4  }
0x3b: {  	v0 =	vadd.f32 v1, v0;
	_ =	sdelay $0x1  }
0x3c: {  	[tilespmem:s1+$0x0] =	vst v0;
	v0 =	vld [tilespmem:s1+$0x6400]  }
0x3d: {  	v1 =	vld [tilespmem:$0xC880];
	_ =	sdelay $0x4  }
0x3e: {  	v0 =	vadd.f32 v1, v0;
	_ =	sdelay $0x1  }
0x3f: {  	[tilespmem:s1+$0x6400] =	vst v0;
	v0 =	vld [tilespmem:s1+$0x10]  }
0x40: {  	v1 =	vld [tilespmem:$0xC810];
	_ =	sdelay $0x4  }
0x41: {  	v0 =	vadd.f32 v1, v0;
	_ =	sdelay $0x1  }
0x42: {  	[tilespmem:s1+$0x10] =	vst v0;
	v0 =	vld [tilespmem:s1+$0x6410]  }
0x43: {  	v1 =	vld [tilespmem:$0xC890];
	_ =	sdelay $0x4  }
0x44: {  	v0 =	vadd.f32 v1, v0;
	_ =	sdelay $0x1  }
0x45: {  	[tilespmem:s1+$0x6410] =	vst v0;
	v0 =	vld [tilespmem:s1+$0x20]  }
0x46: {  	v1 =	vld [tilespmem:$0xC820];
	_ =	sdelay $0x4  }
0x47: {  	v0 =	vadd.f32 v1, v0;
	_ =	sdelay $0x1  }
0x48: {  	[tilespmem:s1+$0x20] =	vst v0;
	v0 =	vld [tilespmem:s1+$0x6420]  }
0x49: {  	v1 =	vld [tilespmem:$0xC8A0];
	_ =	sdelay $0x4  }
0x4a: {  	v0 =	vadd.f32 v1, v0;
	_ =	sdelay $0x1  }
0x4b: {  	[tilespmem:s1+$0x6420] =	vst v0;
	v0 =	vld [tilespmem:s1+$0x30]  }
0x4c: {  	v1 =	vld [tilespmem:$0xC830];
	_ =	sdelay $0x4  }
0x4d: {  	v0 =	vadd.f32 v1, v0;
	_ =	sdelay $0x1  }
0x4e: {  	[tilespmem:s1+$0x30] =	vst v0;
	v0 =	vld [tilespmem:s1+$0x6430]  }
0x4f: {  	v1 =	vld [tilespmem:$0xC8B0];
	_ =	sdelay $0x4  }
0x50: {  	v0 =	vadd.f32 v1, v0;
	_ =	sdelay $0x1  }
0x51: {  	[tilespmem:s1+$0x6430] =	vst v0;
	v0 =	vld [tilespmem:s1+$0x40]  }
0x52: {  	v1 =	vld [tilespmem:$0xC840];
	_ =	sdelay $0x4  }
0x53: {  	v0 =	vadd.f32 v1, v0;
	_ =	sdelay $0x1  }
0x54: {  	[tilespmem:s1+$0x40] =	vst v0;
	v0 =	vld [tilespmem:s1+$0x6440]  }
0x55: {  	v1 =	vld [tilespmem:$0xC8C0];
	_ =	sdelay $0x4  }
0x56: {  	v0 =	vadd.f32 v1, v0;
	_ =	sdelay $0x1  }
0x57: {  	[tilespmem:s1+$0x6440] =	vst v0;
	v0 =	vld [tilespmem:s1+$0x50]  }
0x58: {  	v1 =	vld [tilespmem:$0xC850];
	_ =	sdelay $0x4  }
0x59: {  	v0 =	vadd.f32 v1, v0;
	_ =	sdelay $0x1  }
0x5a: {  	[tilespmem:s1+$0x50] =	vst v0;
	v0 =	vld [tilespmem:s1+$0x6450]  }
0x5b: {  	v1 =	vld [tilespmem:$0xC8D0];
	_ =	sdelay $0x4  }
0x5c: {  	v0 =	vadd.f32 v1, v0;
	_ =	sdelay $0x1  }
0x5d: {  	[tilespmem:s1+$0x6450] =	vst v0;
	v0 =	vld [tilespmem:s1+$0x60]  }
0x5e: {  	v1 =	vld [tilespmem:$0xC860];
	_ =	sdelay $0x4  }
0x5f: {  	v0 =	vadd.f32 v1, v0;
	_ =	sdelay $0x1  }
0x60: {  	[tilespmem:s1+$0x60] =	vst v0;
	v0 =	vld [tilespmem:s1+$0x6460]  }
0x61: {  	v1 =	vld [tilespmem:$0xC8E0];
	_ =	sdelay $0x4  }
0x62: {  	v0 =	vadd.f32 v1, v0;
	_ =	sdelay $0x1  }
0x63: {  	[tilespmem:s1+$0x6460] =	vst v0;
	v0 =	vld [tilespmem:s1+$0x70]  }
0x64: {  	v1 =	vld [tilespmem:$0xC870];
	_ =	sdelay $0x4  }
0x65: {  	v0 =	vadd.f32 v1, v0;
	_ =	sdelay $0x1  }
0x66: {  	[tilespmem:s1+$0x70] =	vst v0;
	v0 =	vld [tilespmem:s1+$0x6470]  }
0x67: {  	v1 =	vld [tilespmem:$0xC8F0];
	_ =	sdelay $0x2  }
.Ltmp2:
0x68: {  	(pc) =	sbr.rel @p0 .LBB2_2-.Ltmp2, $4  }
0x69: {  	_ = 	snop  }
0x6a: {  	v1 =	vadd.f32 v1, v0  }
0x6b: {  	s11 =	sshra.s32 s10, $0x2  }
0x6c: {  	s10 =	sadd.s32 $0x200, s10;
	v0 =	vld [tilespmem:s11+$0x0];
	[tilespmem:s1+$0x6470] =	vst v1;
	s1 =	smov.u32 s11  }
0x6d: {  	v1 =	vld [tilespmem:$0xC800];
	_ =	sdelay $0x4  }
0x6e: {  	v0 =	vadd.f32 v1, v0;
	_ =	sdelay $0x1  }
0x6f: {  	v34 =	vld [tilespmem:s1+$0x6400];
	[tilespmem:s1+$0x0] =	vst v0  }
0x70: {  	v35 =	vld [tilespmem:$0xC880];
	_ =	sdelay $0x4  }
0x71: {  	v0 =	vadd.f32 v35, v34;
	_ =	sdelay $0x1  }
0x72: {  	v36 =	vld [tilespmem:s1+$0x10];
	[tilespmem:s1+$0x6400] =	vst v0  }
0x73: {  	v37 =	vld [tilespmem:$0xC810];
	_ =	sdelay $0x4  }
0x74: {  	v0 =	vadd.f32 v37, v36;
	_ =	sdelay $0x1  }
0x75: {  	v38 =	vld [tilespmem:s1+$0x6410];
	[tilespmem:s1+$0x10] =	vst v0  }
0x76: {  	v39 =	vld [tilespmem:$0xC890];
	_ =	sdelay $0x4  }
0x77: {  	v0 =	vadd.f32 v39, v38;
	_ =	sdelay $0x1  }
0x78: {  	v40 =	vld [tilespmem:s1+$0x20];
	[tilespmem:s1+$0x6410] =	vst v0  }
0x79: {  	v41 =	vld [tilespmem:$0xC820];
	_ =	sdelay $0x4  }
0x7a: {  	v0 =	vadd.f32 v41, v40;
	_ =	sdelay $0x1  }
0x7b: {  	v42 =	vld [tilespmem:s1+$0x6420];
	[tilespmem:s1+$0x20] =	vst v0  }
0x7c: {  	v43 =	vld [tilespmem:$0xC8A0];
	_ =	sdelay $0x4  }
0x7d: {  	v0 =	vadd.f32 v43, v42;
	_ =	sdelay $0x1  }
0x7e: {  	v44 =	vld [tilespmem:s1+$0x30];
	[tilespmem:s1+$0x6420] =	vst v0  }
0x7f: {  	v45 =	vld [tilespmem:$0xC830];
	_ =	sdelay $0x4  }
0x80: {  	v0 =	vadd.f32 v45, v44;
	_ =	sdelay $0x1  }
0x81: {  	v46 =	vld [tilespmem:s1+$0x6430];
	[tilespmem:s1+$0x30] =	vst v0  }
0x82: {  	v47 =	vld [tilespmem:$0xC8B0];
	_ =	sdelay $0x4  }
0x83: {  	v0 =	vadd.f32 v47, v46;
	_ =	sdelay $0x1  }
0x84: {  	v48 =	vld [tilespmem:s1+$0x40];
	[tilespmem:s1+$0x6430] =	vst v0  }
0x85: {  	v49 =	vld [tilespmem:$0xC840];
	_ =	sdelay $0x4  }
0x86: {  	v0 =	vadd.f32 v49, v48;
	_ =	sdelay $0x1  }
0x87: {  	v50 =	vld [tilespmem:s1+$0x6440];
	[tilespmem:s1+$0x40] =	vst v0  }
0x88: {  	v51 =	vld [tilespmem:$0xC8C0];
	_ =	sdelay $0x4  }
0x89: {  	v0 =	vadd.f32 v51, v50;
	_ =	sdelay $0x1  }
0x8a: {  	v52 =	vld [tilespmem:s1+$0x50];
	[tilespmem:s1+$0x6440] =	vst v0  }
0x8b: {  	v53 =	vld [tilespmem:$0xC850];
	_ =	sdelay $0x4  }
0x8c: {  	v0 =	vadd.f32 v53, v52;
	_ =	sdelay $0x1  }
0x8d: {  	v54 =	vld [tilespmem:s1+$0x6450];
	[tilespmem:s1+$0x50] =	vst v0  }
0x8e: {  	v55 =	vld [tilespmem:$0xC8D0];
	_ =	sdelay $0x4  }
0x8f: {  	v0 =	vadd.f32 v55, v54;
	_ =	sdelay $0x1  }
0x90: {  	v56 =	vld [tilespmem:s1+$0x60];
	[tilespmem:s1+$0x6450] =	vst v0  }
0x91: {  	v57 =	vld [tilespmem:$0xC860];
	_ =	sdelay $0x4  }
0x92: {  	v0 =	vadd.f32 v57, v56;
	_ =	sdelay $0x1  }
0x93: {  	v58 =	vld [tilespmem:s1+$0x6460];
	[tilespmem:s1+$0x60] =	vst v0  }
0x94: {  	v59 =	vld [tilespmem:$0xC8E0];
	_ =	sdelay $0x4  }
0x95: {  	v0 =	vadd.f32 v59, v58;
	_ =	sdelay $0x1  }
0x96: {  	v60 =	vld [tilespmem:s1+$0x70];
	[tilespmem:s1+$0x6460] =	vst v0  }
0x97: {  	v61 =	vld [tilespmem:$0xC870];
	_ =	sdelay $0x4  }
0x98: {  	v0 =	vadd.f32 v61, v60;
	_ =	sdelay $0x1  }
0x99: {  	v62 =	vld [tilespmem:s1+$0x6470];
	[tilespmem:s1+$0x70] =	vst v0  }
0x9a: {  	v63 =	vld [tilespmem:$0xC8F0];
	_ =	sdelay $0x4  }
0x9b: {  	v0 =	vadd.f32 v63, v62;
	_ =	sdelay $0x1  }
0x9c: {  	[tilespmem:s1+$0x6470] =	vst v0;
	s1 =	simm.s32 $0x0  }
.LBB2_4:
0x9d: {  	_ =	swait.ge [sflag:s2], $0xC8  }
0x9e: {  	[sflag:s2] =	ssyncset.done $0x0  }
0x9f: {  	[sflag:s2] =	ssyncadd.s32 $0xFFFFFF38  }
0xa0: {  	_ =	swait.ge [sflag:s2], $0xC8  }
0xa1: {  	p0 =	seq.s32 s1, $0x0;
	[sflag:s2] =	ssyncset.done $0x0  }
0xa2: {  	s10 =	simm.s32 @!p0 $0x6;
	[sflag:s2] =	ssyncadd.s32 $0xFFFFFF38  }
0xa3: {  	_ =	swait.ge @!p0 [sflag:s10], $0x6400  }
0xa4: {  	[sflag:s10] =	ssyncset.done @!p0 $0x0  }
0xa5: {  	s4 =	simm.s32 $0x80;
	[sflag:s10] =	ssyncadd.s32 @!p0 $0xFFFF9C00  }
0xa6: {  	[tilespmem:s3], [sflag:$0x4] =	stream.indirect.gather [hbm4b:s0+s4], $0x80, s26, s4, $0xb8;
	[tilespmem:$0x19500] =	vst v63  }
0xa7: {  	s18 =	simm.s32 $0xCA80;
	s19 =	simm.s32 $0x17100  }
0xa8: {  	[tilespmem:s19], [sflag:$0x4] =	stream.indirect.gather [hbm4b:s0+s23], $0x80, s18, s23, $0xb8;
	[tilespmem:$0x19500] =	vst v63  }
0xa9: {  	_ =	swait.ge [sflag:s24], $0x4000  }
0xaa: {  	[sflag:s24] =	ssyncset.done $0x0  }
0xab: {  	[sflag:s24] =	ssyncadd.s32 $0xFFFFC000  }
0xac: {  	_ =	swait.ge [sflag:s24], $0x2400  }
0xad: {  	[sflag:s24] =	ssyncset.done $0x0  }
0xae: {  	s20 =	simm.s32 $0xCB02;
	[sflag:s24] =	ssyncadd.s32 $0xFFFFDC00  }
0xaf: {  	v0 =	vld [tilespmem:s20+$0x1];
	_ =	sdelay $0x1  }
0xb0: {  	v1 =	vld [tilespmem:s20+$0xFFFFFFFF]  }
0xb1: {  	v2 =	vld [tilespmem:s20+$0x0]  }
0xb2: {  	v3 =	vld [tilespmem:s20+$0xFFFFFFFE]  }
0xb3: {  	(v2sf) =	vpush v0, $0x0;
	_ =	sdelay $0x1  }
0xb4: {  	(v2sf) =	vpush v1, $0x0  }
0xb5: {  	(v2sf) =	vpush v2, $0x0  }
0xb6: {  	(v2sf) =	vpush v3, $0x0;
	_ =	sdelay $0xa  }
0xb7: {  	s21 =	spop (v2sf)  }
0xb8: {  	s10 =	smul.u32 $0x19000, s21  }
0xb9: {  	s4 =	simm.s32 $0xCB06;
	s11 =	spop (v2sf)  }
0xba: {  	v4 =	vld [tilespmem:s4+$0xFFFFFFFF];
	s12 =	spop (v2sf);
	s11 =	smul.u32 $0x19000, s11;
	s10 =	sshra.s32 s10, $0x2  }
0xbb: {  	v5 =	vld [tilespmem:s4+$0x0];
	s13 =	spop (v2sf);
	s18 =	smul.u32 $0x19000, s12;
	s28 =	sadd.s32 $0x0, s10  }
0xbc: {  	s17 =	smul.u32 $0x19000, s13;
	s19 =	sshra.s32 s11, $0x2;
	v0 =	vld [tilespmem:s28+$0x180]  }
0xbd: {  	v6 =	vld [tilespmem:s4+$0xFFFFFFFE];
	s12 =	sadd.s32 $0x0, s19;
	s31 =	sshra.s32 s18, $0x2  }
0xbe: {  	s20 =	sshra.s32 s17, $0x2;
	v1 =	vld [tilespmem:s12+$0x80];
	s18 =	sadd.s32 $0x0, s31  }
0xbf: {  	s21 =	sadd.s32 $0x0, s20;
	v3 =	vld [tilespmem:s18+$0x100]  }
0xc0: {  	s10 =	simm.s32 $0x0;
	v2 =	vld [tilespmem:s21+$0x0]  }
0xc1: {  	[tilespmem:s10+$0xCE80] =	vst.add.f32.msk $0xffff, v0  }
0xc2: {  	v0 =	vld [tilespmem:s28+$0x190]  }
0xc3: {  	[tilespmem:s10+$0xCD80] =	vst.add.f32.msk $0xffff, v1  }
0xc4: {  	[tilespmem:s10+$0xCE00] =	vst.add.f32.msk $0xffff, v3  }
0xc5: {  	[tilespmem:s10+$0xCD00] =	vst.add.f32.msk $0xffff, v2  }
0xc6: {  	v2 =	vld [tilespmem:s12+$0x90]  }
0xc7: {  	v3 =	vld [tilespmem:s18+$0x110]  }
0xc8: {  	v1 =	vld [tilespmem:s21+$0x10]  }
0xc9: {  	[tilespmem:s10+$0xCE90] =	vst.add.f32.msk $0xffff, v0  }
0xca: {  	v0 =	vld [tilespmem:s28+$0x1A0]  }
0xcb: {  	[tilespmem:s10+$0xCD90] =	vst.add.f32.msk $0xffff, v2  }
0xcc: {  	[tilespmem:s10+$0xCE10] =	vst.add.f32.msk $0xffff, v3  }
0xcd: {  	[tilespmem:s10+$0xCD10] =	vst.add.f32.msk $0xffff, v1  }
0xce: {  	v2 =	vld [tilespmem:s12+$0xA0]  }
0xcf: {  	v3 =	vld [tilespmem:s18+$0x120]  }
0xd0: {  	v1 =	vld [tilespmem:s21+$0x20]  }
0xd1: {  	[tilespmem:s10+$0xCEA0] =	vst.add.f32.msk $0xffff, v0  }
0xd2: {  	v0 =	vld [tilespmem:s28+$0x1B0]  }
0xd3: {  	[tilespmem:s10+$0xCDA0] =	vst.add.f32.msk $0xffff, v2  }
0xd4: {  	[tilespmem:s10+$0xCE20] =	vst.add.f32.msk $0xffff, v3  }
0xd5: {  	[tilespmem:s10+$0xCD20] =	vst.add.f32.msk $0xffff, v1  }
0xd6: {  	v2 =	vld [tilespmem:s12+$0xB0]  }
0xd7: {  	v3 =	vld [tilespmem:s18+$0x130]  }
0xd8: {  	v1 =	vld [tilespmem:s21+$0x30]  }
0xd9: {  	[tilespmem:s10+$0xCEB0] =	vst.add.f32.msk $0xffff, v0  }
0xda: {  	v0 =	vld [tilespmem:s28+$0x1C0]  }
0xdb: {  	[tilespmem:s10+$0xCDB0] =	vst.add.f32.msk $0xffff, v2  }
0xdc: {  	[tilespmem:s10+$0xCE30] =	vst.add.f32.msk $0xffff, v3  }
0xdd: {  	v3 =	vld [tilespmem:s4+$0x1]  }
0xde: {  	v2 =	vld [tilespmem:s18+$0x140]  }
0xdf: {  	[tilespmem:s10+$0xCEC0] =	vst.add.f32.msk $0xffff, v0  }
0xe0: {  	v0 =	vld [tilespmem:s28+$0x1D0]  }
0xe1: {  	[tilespmem:s10+$0xCD30] =	vst.add.f32.msk $0xffff, v1  }
0xe2: {  	v1 =	vld [tilespmem:s21+$0x40];
	(v2sf) =	vpush v3, $0x0  }
0xe3: {  	[tilespmem:s10+$0xCE40] =	vst.add.f32.msk $0xffff, v2  }
0xe4: {  	(v2sf) =	vpush v4, $0x0;
	v2 =	vld [tilespmem:s18+$0x150]  }
0xe5: {  	[tilespmem:s10+$0xCED0] =	vst.add.f32.msk $0xffff, v0  }
0xe6: {  	v0 =	vld [tilespmem:s12+$0xC0]  }
0xe7: {  	[tilespmem:s10+$0xCD40] =	vst.add.f32.msk $0xffff, v1;
	(v2sf) =	vpush v5, $0x0  }
0xe8: {  	(v2sf) =	vpush v6, $0x0;
	v7 =	vld [tilespmem:s28+$0x1E0]  }
0xe9: {  	[tilespmem:s10+$0xCE50] =	vst.add.f32.msk $0xffff, v2  }
0xea: {  	v2 =	vld [tilespmem:s18+$0x160]  }
0xeb: {  	[tilespmem:s10+$0xCDC0] =	vst.add.f32.msk $0xffff, v0  }
0xec: {  	v0 =	vld [tilespmem:s21+$0x50]  }
0xed: {  	v1 =	vld [tilespmem:s12+$0xD0]  }
0xee: {  	[tilespmem:s10+$0xCEE0] =	vst.add.f32.msk $0xffff, v7  }
0xef: {  	v3 =	vld [tilespmem:s28+$0x1F0]  }
0xf0: {  	[tilespmem:s10+$0xCE60] =	vst.add.f32.msk $0xffff, v2  }
0xf1: {  	[tilespmem:s10+$0xCD50] =	vst.add.f32.msk $0xffff, v0;
	s19 =	spop (v2sf)  }
0xf2: {  	v0 =	vld [tilespmem:s21+$0x60];
	s13 =	smul.u32 $0x19000, s19  }
0xf3: {  	[tilespmem:s10+$0xCDD0] =	vst.add.f32.msk $0xffff, v1;
	s20 =	spop (v2sf)  }
0xf4: {  	v1 =	vld [tilespmem:s12+$0xE0];
	s17 =	smul.u32 $0x19000, s20;
	s13 =	sshra.s32 s13, $0x2  }
0xf5: {  	[tilespmem:s10+$0xCEF0] =	vst.add.f32.msk $0xffff, v3;
	s29 =	sadd.s32 $0x200, s13  }
0xf6: {  	s20 =	spop (v2sf);
	s17 =	sshra.s32 s17, $0x2;
	v2 =	vld [tilespmem:s29+$0x180]  }
0xf7: {  	s28 =	spop (v2sf);
	s11 =	sadd.s32 $0x200, s17;
	[tilespmem:s10+$0xCD60] =	vst.add.f32.msk $0xffff, v0  }
0xf8: {  	s28 =	smul.u32 $0x19000, s28;
	v3 =	vld [tilespmem:s11+$0x80]  }
0xf9: {  	[tilespmem:s10+$0xCDE0] =	vst.add.f32.msk $0xffff, v1  }
0xfa: {  	s31 =	sshra.s32 s28, $0x2;
	v1 =	vld [tilespmem:s21+$0x70];
	s21 =	smul.u32 $0x19000, s20  }
0xfb: {  	s13 =	sadd.s32 $0x200, s31;
	v0 =	vld [tilespmem:s12+$0xF0]  }
0xfc: {  	v4 =	vld [tilespmem:s13+$0x0];
	s12 =	simm.s32 $0x200;
	s17 =	sshra.s32 s21, $0x2  }
0xfd: {  	s17 =	sadd.s32 $0x200, s17;
	[tilespmem:s12+$0xCE80] =	vst.add.f32.msk $0xffff, v2  }
0xfe: {  	v5 =	vld [tilespmem:s17+$0x100]  }
0xff: {  	v2 =	vld [tilespmem:s29+$0x190]  }
0x100: {  	[tilespmem:s12+$0xCD80] =	vst.add.f32.msk $0xffff, v3  }
0x101: {  	[tilespmem:s12+$0xCD00] =	vst.add.f32.msk $0xffff, v4  }
0x102: {  	v4 =	vld [tilespmem:s11+$0x90]  }
0x103: {  	v3 =	vld [tilespmem:s13+$0x10]  }
0x104: {  	[tilespmem:s12+$0xCE00] =	vst.add.f32.msk $0xffff, v5  }
0x105: {  	[tilespmem:s12+$0xCE90] =	vst.add.f32.msk $0xffff, v2  }
0x106: {  	v2 =	vld [tilespmem:s29+$0x1A0]  }
0x107: {  	v5 =	vld [tilespmem:s17+$0x110]  }
0x108: {  	[tilespmem:s12+$0xCD90] =	vst.add.f32.msk $0xffff, v4  }
0x109: {  	[tilespmem:s12+$0xCD10] =	vst.add.f32.msk $0xffff, v3  }
0x10a: {  	v4 =	vld [tilespmem:s11+$0xA0]  }
0x10b: {  	[tilespmem:s12+$0xCEA0] =	vst.add.f32.msk $0xffff, v2  }
0x10c: {  	v2 =	vld [tilespmem:s29+$0x1B0]  }
0x10d: {  	v3 =	vld [tilespmem:s13+$0x20]  }
0x10e: {  	[tilespmem:s12+$0xCE10] =	vst.add.f32.msk $0xffff, v5  }
0x10f: {  	v5 =	vld [tilespmem:s17+$0x120]  }
0x110: {  	[tilespmem:s12+$0xCDA0] =	vst.add.f32.msk $0xffff, v4  }
0x111: {  	[tilespmem:s12+$0xCEB0] =	vst.add.f32.msk $0xffff, v2  }
0x112: {  	v2 =	vld [tilespmem:s29+$0x1C0]  }
0x113: {  	[tilespmem:s12+$0xCD20] =	vst.add.f32.msk $0xffff, v3  }
0x114: {  	v3 =	vld [tilespmem:s13+$0x30]  }
0x115: {  	[tilespmem:s12+$0xCE20] =	vst.add.f32.msk $0xffff, v5  }
0x116: {  	v5 =	vld [tilespmem:s11+$0xB0]  }
0x117: {  	[tilespmem:s12+$0xCEC0] =	vst.add.f32.msk $0xffff, v2  }
0x118: {  	v4 =	vld [tilespmem:s29+$0x1D0];
	_ =	sdelay $0x1  }
0x119: {  	v6 =	vld [tilespmem:s17+$0x130]  }
0x11a: {  	[tilespmem:s12+$0xCD30] =	vst.add.f32.msk $0xffff, v3  }
0x11b: {  	[tilespmem:s12+$0xCDB0] =	vst.add.f32.msk $0xffff, v5  }
0x11c: {  	[tilespmem:s12+$0xCED0] =	vst.add.f32.msk $0xffff, v4  }
0x11d: {  	v7 =	vld [tilespmem:s29+$0x1E0]  }
0x11e: {  	v2 =	vld [tilespmem:s13+$0x40]  }
0x11f: {  	[tilespmem:s12+$0xCE30] =	vst.add.f32.msk $0xffff, v6  }
0x120: {  	v3 =	vld [tilespmem:s17+$0x140]  }
0x121: {  	v4 =	vld [tilespmem:s11+$0xC0]  }
0x122: {  	[tilespmem:s12+$0xCEE0] =	vst.add.f32.msk $0xffff, v7  }
0x123: {  	s30 =	simm.s32 $0x4;
	s20 =	simm.s32 $0x800;
	v5 =	vld [tilespmem:s29+$0x1F0];
	s29 =	simm.s32 $0xCB0A  }
.LBB2_5:
0x124: {  	v6 =	vld [tilespmem:s29+$0x1];
	s30 =	sadd.s32 $0x4, s30  }
0x125: {  	v7 =	vld [tilespmem:s29+$0xFFFFFFFF];
	p0 =	slt.u32 s30, $0xC4  }
0x126: {  	v8 =	vld [tilespmem:s29+$0x0]  }
0x127: {  	v9 =	vld [tilespmem:s29+$0xFFFFFFFE]  }
0x128: {  	[tilespmem:s12+$0xCEF0] =	vst.add.f32.msk $0xffff, v5  }
0x129: {  	(v2sf) =	vpush v6, $0x0;
	[tilespmem:s12+$0xCD40] =	vst.add.f32.msk $0xffff, v2  }
0x12a: {  	(v2sf) =	vpush v7, $0x0;
	[tilespmem:s12+$0xCDC0] =	vst.add.f32.msk $0xffff, v4  }
0x12b: {  	(v2sf) =	vpush v8, $0x0;
	[tilespmem:s12+$0xCE40] =	vst.add.f32.msk $0xffff, v3  }
0x12c: {  	(v2sf) =	vpush v9, $0x0;
	v2 =	vld [tilespmem:s13+$0x50]  }
0x12d: {  	v3 =	vld [tilespmem:s11+$0xD0]  }
0x12e: {  	v4 =	vld [tilespmem:s17+$0x150]  }
0x12f: {  	v5 =	vld [tilespmem:s18+$0x170];
	s18 =	smov.u32 s17  }
0x130: {  	[tilespmem:s10+$0xCD70] =	vst.add.f32.msk $0xffff, v1  }
0x131: {  	[tilespmem:s12+$0xCD50] =	vst.add.f32.msk $0xffff, v2  }
0x132: {  	[tilespmem:s12+$0xCDD0] =	vst.add.f32.msk $0xffff, v3  }
0x133: {  	[tilespmem:s12+$0xCE50] =	vst.add.f32.msk $0xffff, v4  }
0x134: {  	v1 =	vld [tilespmem:s13+$0x60]  }
0x135: {  	v2 =	vld [tilespmem:s11+$0xE0]  }
0x136: {  	v3 =	vld [tilespmem:s18+$0x160]  }
0x137: {  	[tilespmem:s10+$0xCDF0] =	vst.add.f32.msk $0xffff, v0  }
0x138: {  	s17 =	spop (v2sf);
	[tilespmem:s10+$0xCE70] =	vst.add.f32.msk $0xffff, v5;
	s10 =	smov.u32 s12  }
0x139: {  	s17 =	smul.u32 $0x19000, s17;
	s12 =	spop (v2sf);
	[tilespmem:s10+$0xCD60] =	vst.add.f32.msk $0xffff, v1  }
0x13a: {  	s20 =	sadd.s32 $0x800, s20;
	s28 =	smul.u32 $0x19000, s12;
	s4 =	spop (v2sf);
	[tilespmem:s10+$0xCDE0] =	vst.add.f32.msk $0xffff, v2  }
0x13b: {  	s12 =	sshra.s32 s20, $0x2;
	s17 =	sshra.s32 s17, $0x2;
	s31 =	spop (v2sf);
	[tilespmem:s10+$0xCE60] =	vst.add.f32.msk $0xffff, v3  }
0x13c: {  	s19 =	smul.u32 $0x19000, s31;
	s28 =	sshra.s32 s28, $0x2;
	s31 =	sadd.s32 s12, s17;
	v1 =	vld [tilespmem:s13+$0x70]  }
0x13d: {  	s4 =	smul.u32 $0x19000, s4;
	s17 =	sadd.s32 s12, s28;
	v2 =	vld [tilespmem:s31+$0x180]  }
0x13e: {  	s13 =	sshra.s32 s19, $0x2;
	v3 =	vld [tilespmem:s17+$0x80]  }
0x13f: {  	s4 =	sshra.s32 s4, $0x2;
	s13 =	sadd.s32 s12, s13;
	v0 =	vld [tilespmem:s11+$0xF0];
	s11 =	smov.u32 s17  }
0x140: {  	s17 =	sadd.s32 s12, s4;
	v4 =	vld [tilespmem:s13+$0x0]  }
0x141: {  	v5 =	vld [tilespmem:s17+$0x100]  }
0x142: {  	[tilespmem:s12+$0xCE80] =	vst.add.f32.msk $0xffff, v2  }
0x143: {  	v2 =	vld [tilespmem:s31+$0x190]  }
0x144: {  	[tilespmem:s12+$0xCD80] =	vst.add.f32.msk $0xffff, v3  }
0x145: {  	[tilespmem:s12+$0xCD00] =	vst.add.f32.msk $0xffff, v4  }
0x146: {  	[tilespmem:s12+$0xCE00] =	vst.add.f32.msk $0xffff, v5  }
0x147: {  	v3 =	vld [tilespmem:s13+$0x10]  }
0x148: {  	[tilespmem:s12+$0xCE90] =	vst.add.f32.msk $0xffff, v2  }
0x149: {  	v2 =	vld [tilespmem:s31+$0x1A0]  }
0x14a: {  	v4 =	vld [tilespmem:s11+$0x90]  }
0x14b: {  	v5 =	vld [tilespmem:s17+$0x110]  }
0x14c: {  	[tilespmem:s12+$0xCD10] =	vst.add.f32.msk $0xffff, v3  }
0x14d: {  	v3 =	vld [tilespmem:s13+$0x20]  }
0x14e: {  	[tilespmem:s12+$0xCEA0] =	vst.add.f32.msk $0xffff, v2  }
0x14f: {  	v2 =	vld [tilespmem:s31+$0x1B0]  }
0x150: {  	[tilespmem:s12+$0xCD90] =	vst.add.f32.msk $0xffff, v4  }
0x151: {  	[tilespmem:s12+$0xCE10] =	vst.add.f32.msk $0xffff, v5  }
0x152: {  	v4 =	vld [tilespmem:s11+$0xA0]  }
0x153: {  	v5 =	vld [tilespmem:s17+$0x120]  }
0x154: {  	[tilespmem:s12+$0xCEB0] =	vst.add.f32.msk $0xffff, v2  }
0x155: {  	v2 =	vld [tilespmem:s31+$0x1C0]  }
0x156: {  	[tilespmem:s12+$0xCD20] =	vst.add.f32.msk $0xffff, v3  }
0x157: {  	[tilespmem:s12+$0xCDA0] =	vst.add.f32.msk $0xffff, v4  }
0x158: {  	[tilespmem:s12+$0xCE20] =	vst.add.f32.msk $0xffff, v5  }
0x159: {  	v3 =	vld [tilespmem:s13+$0x30]  }
0x15a: {  	[tilespmem:s12+$0xCEC0] =	vst.add.f32.msk $0xffff, v2  }
0x15b: {  	v4 =	vld [tilespmem:s31+$0x1D0]  }
0x15c: {  	v5 =	vld [tilespmem:s11+$0xB0]  }
0x15d: {  	v6 =	vld [tilespmem:s17+$0x130]  }
0x15e: {  	[tilespmem:s12+$0xCD30] =	vst.add.f32.msk $0xffff, v3  }
0x15f: {  	v2 =	vld [tilespmem:s13+$0x40]  }
0x160: {  	[tilespmem:s12+$0xCED0] =	vst.add.f32.msk $0xffff, v4  }
0x161: {  	v7 =	vld [tilespmem:s31+$0x1E0]  }
0x162: {  	[tilespmem:s12+$0xCDB0] =	vst.add.f32.msk $0xffff, v5  }
.Ltmp3:
0x163: {  	[tilespmem:s12+$0xCE30] =	vst.add.f32.msk $0xffff, v6;
	(pc) =	sbr.rel @p0 .LBB2_5-.Ltmp3, $4  }
0x164: {  	v4 =	vld [tilespmem:s11+$0xC0]  }
0x165: {  	v3 =	vld [tilespmem:s17+$0x140]  }
0x166: {  	[tilespmem:s12+$0xCEE0] =	vst.add.f32.msk $0xffff, v7  }
0x167: {  	s29 =	sadd.s32 $0x4, s29;
	v5 =	vld [tilespmem:s31+$0x1F0]  }
0x168: {  	[tilespmem:s12+$0xCD40] =	vst.add.f32.msk $0xffff, v2  }
0x169: {  	[tilespmem:s12+$0xCDC0] =	vst.add.f32.msk $0xffff, v4  }
0x16a: {  	v2 =	vld [tilespmem:s13+$0x50]  }
0x16b: {  	[tilespmem:s12+$0xCE40] =	vst.add.f32.msk $0xffff, v3  }
0x16c: {  	v3 =	vld [tilespmem:s11+$0xD0]  }
0x16d: {  	[tilespmem:s10+$0xCD70] =	vst.add.f32.msk $0xffff, v1  }
0x16e: {  	v4 =	vld [tilespmem:s17+$0x150]  }
0x16f: {  	[tilespmem:s12+$0xCEF0] =	vst.add.f32.msk $0xffff, v5  }
0x170: {  	[tilespmem:s12+$0xCD50] =	vst.add.f32.msk $0xffff, v2  }
0x171: {  	[tilespmem:s12+$0xCDD0] =	vst.add.f32.msk $0xffff, v3  }
0x172: {  	v2 =	vld [tilespmem:s13+$0x60]  }
0x173: {  	v3 =	vld [tilespmem:s11+$0xE0]  }
0x174: {  	[tilespmem:s12+$0xCE50] =	vst.add.f32.msk $0xffff, v4  }
0x175: {  	v4 =	vld [tilespmem:s17+$0x160]  }
0x176: {  	v5 =	vld [tilespmem:s18+$0x170]  }
0x177: {  	[tilespmem:s12+$0xCD60] =	vst.add.f32.msk $0xffff, v2  }
0x178: {  	[tilespmem:s12+$0xCDE0] =	vst.add.f32.msk $0xffff, v3  }
0x179: {  	v1 =	vld [tilespmem:s13+$0x70]  }
0x17a: {  	[tilespmem:s12+$0xCE60] =	vst.add.f32.msk $0xffff, v4  }
0x17b: {  	v2 =	vld [tilespmem:s11+$0xF0]  }
0x17c: {  	v3 =	vld [tilespmem:s17+$0x170]  }
0x17d: {  	[tilespmem:s10+$0xCDF0] =	vst.add.f32.msk $0xffff, v0;
	s18 =	smul.u32 $0x190, s1  }
0x17e: {  	[tilespmem:s10+$0xCE70] =	vst.add.f32.msk $0xffff, v5  }
0x17f: {  	s4 =	sadd.s32 s7, s18;
	[tilespmem:s12+$0xCD70] =	vst.add.f32.msk $0xffff, v1  }
0x180: {  	s4 =	sshll.u32 s4, $0x4;
	[tilespmem:s12+$0xCDF0] =	vst.add.f32.msk $0xffff, v2  }
0x181: {  	p0 =	seq.s32 s1, $0x3F;
	s4 =	sadd.s32 s5, s4;
	[tilespmem:s12+$0xCE70] =	vst.add.f32.msk $0xffff, v3  }
0x182: {  	[hbm4b:s4+s6] =	stream.linear.scatter [tilespmem:s22], [sflag:$0x5], $0x6400, $0x38;
	[tilespmem:$0x19500] =	vst v63  }
0x183: {  	s4 =	sadd.s32 @!p0 s18, s14  }
0x184: {  	s4 =	sshrl.u32 @!p0 s4, $0x3  }
0x185: {  	s11 =	simm.s32 @!p0 $0x0;
	s12 =	simm.s32 @!p0 $0xC900;
	s10 =	sadd.s32 @!p0 s8, s4  }
0x186: {  	[tilespmem:s12], [sflag:$0x1] =	stream.linear.gather @!p0 [hbm4b:s10+s11], $0xC8, $0x38;
	[tilespmem:$0x19500] =	vst v63  }
0x187: {  	s4 =	sadd.s32 @!p0 s9, s4;
	s10 =	simm.s32 @!p0 $0xCB00  }
0x188: {  	[tilespmem:s10], [sflag:$0x1] =	stream.linear.gather @!p0 [hbm4b:s4+s11], $0xC8, $0x38;
	[tilespmem:$0x19500] =	vst v63  }
0x189: {  	s4 =	simm.s32 @!p0 $0x1  }
0x18a: {  	_ =	swait.ge @!p0 [sflag:s4], $0xC8  }
0x18b: {  	[sflag:s4] =	ssyncset.done @!p0 $0x0  }
0x18c: {  	[sflag:s4] =	ssyncadd.s32 @!p0 $0xFFFFFF38  }
0x18d: {  	_ =	swait.ge @!p0 [sflag:s4], $0xC8  }
0x18e: {  	[sflag:s4] =	ssyncset.done @!p0 $0x0  }
0x18f: {  	[sflag:s4] =	ssyncadd.s32 @!p0 $0xFFFFFF38;
	s4 =	simm.s32 @!p0 $0x5  }
0x190: {  	_ =	swait.ge @!p0 [sflag:s4], $0x6400  }
0x191: {  	[sflag:s4] =	ssyncset.done @!p0 $0x0  }
0x192: {  	s10 =	simm.s32 @!p0 $0xCD00;
	[sflag:s4] =	ssyncadd.s32 @!p0 $0xFFFF9C00;
	s4 =	simm.s32 @!p0 $0x80  }
0x193: {  	[tilespmem:s10], [sflag:$0x3] =	stream.indirect.gather @!p0 [hbm4b:s0+s4], $0x80, s12, s4, $0xb8;
	[tilespmem:$0x19500] =	vst v63  }
0x194: {  	s11 =	simm.s32 @!p0 $0x10D00;
	s4 =	simm.s32 @!p0 $0x48;
	s10 =	simm.s32 @!p0 $0xC980  }
0x195: {  	[tilespmem:s11], [sflag:$0x3] =	stream.indirect.gather @!p0 [hbm4b:s0+s4], $0x80, s10, s4, $0xb8;
	[tilespmem:$0x19500] =	vst v63  }
0x196: {  	_ =	swait.ge [sflag:s25], $0x4000  }
0x197: {  	[sflag:s25] =	ssyncset.done $0x0  }
0x198: {  	[sflag:s25] =	ssyncadd.s32 $0xFFFFC000  }
0x199: {  	_ =	swait.ge [sflag:s25], $0x2400  }
0x19a: {  	[sflag:s25] =	ssyncset.done $0x0  }
0x19b: {  	s10 =	simm.s32 $0xCC02;
	[sflag:s25] =	ssyncadd.s32 $0xFFFFDC00  }
0x19c: {  	v0 =	vld [tilespmem:s10+$0x1];
	_ =	sdelay $0x1  }
0x19d: {  	v1 =	vld [tilespmem:s10+$0xFFFFFFFF]  }
0x19e: {  	v2 =	vld [tilespmem:s10+$0x0]  }
0x19f: {  	v3 =	vld [tilespmem:s10+$0xFFFFFFFE]  }
0x1a0: {  	(v2sf) =	vpush v0, $0x0;
	_ =	sdelay $0x1  }
0x1a1: {  	(v2sf) =	vpush v1, $0x0  }
0x1a2: {  	(v2sf) =	vpush v2, $0x0  }
0x1a3: {  	(v2sf) =	vpush v3, $0x0;
	_ =	sdelay $0xa  }
0x1a4: {  	s11 =	spop (v2sf)  }
0x1a5: {  	s4 =	smul.u32 $0x19000, s11  }
0x1a6: {  	s12 =	spop (v2sf)  }
0x1a7: {  	s13 =	spop (v2sf);
	s4 =	sshra.s32 s4, $0x2  }
0x1a8: {  	s10 =	smul.u32 $0x19000, s12;
	s19 =	spop (v2sf);
	s17 =	sadd.s32 $0x0, s4  }
0x1a9: {  	s12 =	smul.u32 $0x19000, s19;
	s19 =	simm.s32 $0xCC06;
	v0 =	vld [tilespmem:s17+$0x180]  }
0x1aa: {  	s21 =	smul.u32 $0x19000, s13;
	v4 =	vld [tilespmem:s19+$0xFFFFFFFF]  }
0x1ab: {  	s20 =	sshra.s32 s10, $0x2;
	v5 =	vld [tilespmem:s19+$0x0]  }
0x1ac: {  	s13 =	sadd.s32 $0x0, s20;
	s11 =	sshra.s32 s21, $0x2;
	v6 =	vld [tilespmem:s19+$0xFFFFFFFE]  }
0x1ad: {  	s28 =	sshra.s32 s12, $0x2;
	v1 =	vld [tilespmem:s13+$0x80];
	s11 =	sadd.s32 $0x0, s11  }
0x1ae: {  	s12 =	sadd.s32 $0x0, s28;
	v3 =	vld [tilespmem:s11+$0x100]  }
0x1af: {  	s10 =	simm.s32 $0x0;
	v2 =	vld [tilespmem:s12+$0x0]  }
0x1b0: {  	[tilespmem:s10+$0x13280] =	vst.add.f32.msk $0xffff, v0  }
0x1b1: {  	v0 =	vld [tilespmem:s17+$0x190]  }
0x1b2: {  	[tilespmem:s10+$0x13180] =	vst.add.f32.msk $0xffff, v1  }
0x1b3: {  	[tilespmem:s10+$0x13200] =	vst.add.f32.msk $0xffff, v3  }
0x1b4: {  	[tilespmem:s10+$0x13100] =	vst.add.f32.msk $0xffff, v2  }
0x1b5: {  	v2 =	vld [tilespmem:s13+$0x90]  }
0x1b6: {  	v3 =	vld [tilespmem:s11+$0x110]  }
0x1b7: {  	v1 =	vld [tilespmem:s12+$0x10]  }
0x1b8: {  	[tilespmem:s10+$0x13290] =	vst.add.f32.msk $0xffff, v0  }
0x1b9: {  	v0 =	vld [tilespmem:s17+$0x1A0]  }
0x1ba: {  	[tilespmem:s10+$0x13190] =	vst.add.f32.msk $0xffff, v2  }
0x1bb: {  	[tilespmem:s10+$0x13210] =	vst.add.f32.msk $0xffff, v3  }
0x1bc: {  	[tilespmem:s10+$0x13110] =	vst.add.f32.msk $0xffff, v1  }
0x1bd: {  	v2 =	vld [tilespmem:s13+$0xA0]  }
0x1be: {  	v3 =	vld [tilespmem:s11+$0x120]  }
0x1bf: {  	v1 =	vld [tilespmem:s12+$0x20]  }
0x1c0: {  	[tilespmem:s10+$0x132A0] =	vst.add.f32.msk $0xffff, v0  }
0x1c1: {  	v0 =	vld [tilespmem:s17+$0x1B0]  }
0x1c2: {  	[tilespmem:s10+$0x131A0] =	vst.add.f32.msk $0xffff, v2  }
0x1c3: {  	[tilespmem:s10+$0x13220] =	vst.add.f32.msk $0xffff, v3  }
0x1c4: {  	[tilespmem:s10+$0x13120] =	vst.add.f32.msk $0xffff, v1  }
0x1c5: {  	v2 =	vld [tilespmem:s13+$0xB0]  }
0x1c6: {  	v3 =	vld [tilespmem:s11+$0x130]  }
0x1c7: {  	v1 =	vld [tilespmem:s12+$0x30]  }
0x1c8: {  	[tilespmem:s10+$0x132B0] =	vst.add.f32.msk $0xffff, v0  }
0x1c9: {  	v0 =	vld [tilespmem:s17+$0x1C0]  }
0x1ca: {  	[tilespmem:s10+$0x131B0] =	vst.add.f32.msk $0xffff, v2  }
0x1cb: {  	[tilespmem:s10+$0x13230] =	vst.add.f32.msk $0xffff, v3  }
0x1cc: {  	v3 =	vld [tilespmem:s19+$0x1]  }
0x1cd: {  	v2 =	vld [tilespmem:s11+$0x140]  }
0x1ce: {  	[tilespmem:s10+$0x132C0] =	vst.add.f32.msk $0xffff, v0  }
0x1cf: {  	v0 =	vld [tilespmem:s17+$0x1D0]  }
0x1d0: {  	[tilespmem:s10+$0x13130] =	vst.add.f32.msk $0xffff, v1  }
0x1d1: {  	v1 =	vld [tilespmem:s12+$0x40]  }
0x1d2: {  	(v2sf) =	vpush v3, $0x0;
	[tilespmem:s10+$0x13240] =	vst.add.f32.msk $0xffff, v2  }
0x1d3: {  	v2 =	vld [tilespmem:s11+$0x150]  }
0x1d4: {  	[tilespmem:s10+$0x132D0] =	vst.add.f32.msk $0xffff, v0  }
0x1d5: {  	(v2sf) =	vpush v4, $0x0;
	v0 =	vld [tilespmem:s13+$0xC0]  }
0x1d6: {  	(v2sf) =	vpush v5, $0x0  }
0x1d7: {  	[tilespmem:s10+$0x13140] =	vst.add.f32.msk $0xffff, v1  }
0x1d8: {  	v7 =	vld [tilespmem:s17+$0x1E0]  }
0x1d9: {  	(v2sf) =	vpush v6, $0x0;
	[tilespmem:s10+$0x13250] =	vst.add.f32.msk $0xffff, v2  }
0x1da: {  	[tilespmem:s10+$0x131C0] =	vst.add.f32.msk $0xffff, v0  }
0x1db: {  	v0 =	vld [tilespmem:s12+$0x50]  }
0x1dc: {  	v1 =	vld [tilespmem:s13+$0xD0]  }
0x1dd: {  	v2 =	vld [tilespmem:s11+$0x160]  }
0x1de: {  	[tilespmem:s10+$0x132E0] =	vst.add.f32.msk $0xffff, v7  }
0x1df: {  	v3 =	vld [tilespmem:s17+$0x1F0]  }
0x1e0: {  	[tilespmem:s10+$0x13150] =	vst.add.f32.msk $0xffff, v0  }
0x1e1: {  	s20 =	spop (v2sf);
	[tilespmem:s10+$0x131D0] =	vst.add.f32.msk $0xffff, v1  }
0x1e2: {  	v0 =	vld [tilespmem:s12+$0x60];
	s4 =	smul.u32 $0x19000, s20  }
0x1e3: {  	v1 =	vld [tilespmem:s13+$0xE0]  }
0x1e4: {  	[tilespmem:s10+$0x13260] =	vst.add.f32.msk $0xffff, v2;
	s21 =	spop (v2sf);
	s4 =	sshra.s32 s4, $0x2  }
0x1e5: {  	[tilespmem:s10+$0x132F0] =	vst.add.f32.msk $0xffff, v3;
	s19 =	spop (v2sf);
	s4 =	sadd.s32 $0x200, s4  }
0x1e6: {  	s19 =	smul.u32 $0x19000, s19;
	v2 =	vld [tilespmem:s4+$0x180]  }
0x1e7: {  	s17 =	smul.u32 $0x19000, s21;
	[tilespmem:s10+$0x13160] =	vst.add.f32.msk $0xffff, v0  }
0x1e8: {  	s20 =	spop (v2sf);
	s19 =	sshra.s32 s19, $0x2;
	[tilespmem:s10+$0x131E0] =	vst.add.f32.msk $0xffff, v1  }
0x1e9: {  	s20 =	smul.u32 $0x19000, s20;
	s17 =	sshra.s32 s17, $0x2;
	s30 =	sadd.s32 $0x200, s19;
	v1 =	vld [tilespmem:s12+$0x70]  }
0x1ea: {  	s12 =	sadd.s32 $0x200, s17;
	v5 =	vld [tilespmem:s30+$0x100]  }
0x1eb: {  	s28 =	sshra.s32 s20, $0x2;
	v3 =	vld [tilespmem:s12+$0x80]  }
0x1ec: {  	s17 =	sadd.s32 $0x200, s28;
	v0 =	vld [tilespmem:s13+$0xF0]  }
0x1ed: {  	v4 =	vld [tilespmem:s17+$0x0];
	s13 =	simm.s32 $0x200  }
0x1ee: {  	[tilespmem:s13+$0x13280] =	vst.add.f32.msk $0xffff, v2  }
0x1ef: {  	v2 =	vld [tilespmem:s4+$0x190]  }
0x1f0: {  	[tilespmem:s13+$0x13200] =	vst.add.f32.msk $0xffff, v5  }
0x1f1: {  	[tilespmem:s13+$0x13180] =	vst.add.f32.msk $0xffff, v3  }
0x1f2: {  	[tilespmem:s13+$0x13100] =	vst.add.f32.msk $0xffff, v4  }
0x1f3: {  	v5 =	vld [tilespmem:s30+$0x110]  }
0x1f4: {  	v3 =	vld [tilespmem:s17+$0x10]  }
0x1f5: {  	[tilespmem:s13+$0x13290] =	vst.add.f32.msk $0xffff, v2  }
0x1f6: {  	v2 =	vld [tilespmem:s4+$0x1A0]  }
0x1f7: {  	v4 =	vld [tilespmem:s12+$0x90]  }
0x1f8: {  	[tilespmem:s13+$0x13210] =	vst.add.f32.msk $0xffff, v5  }
0x1f9: {  	[tilespmem:s13+$0x13110] =	vst.add.f32.msk $0xffff, v3  }
0x1fa: {  	v5 =	vld [tilespmem:s30+$0x120]  }
0x1fb: {  	[tilespmem:s13+$0x132A0] =	vst.add.f32.msk $0xffff, v2  }
0x1fc: {  	v2 =	vld [tilespmem:s4+$0x1B0]  }
0x1fd: {  	[tilespmem:s13+$0x13190] =	vst.add.f32.msk $0xffff, v4  }
0x1fe: {  	v3 =	vld [tilespmem:s17+$0x20]  }
0x1ff: {  	v4 =	vld [tilespmem:s12+$0xA0]  }
0x200: {  	[tilespmem:s13+$0x13220] =	vst.add.f32.msk $0xffff, v5  }
0x201: {  	[tilespmem:s13+$0x132B0] =	vst.add.f32.msk $0xffff, v2  }
0x202: {  	v2 =	vld [tilespmem:s4+$0x1C0]  }
0x203: {  	[tilespmem:s13+$0x13120] =	vst.add.f32.msk $0xffff, v3  }
0x204: {  	[tilespmem:s13+$0x131A0] =	vst.add.f32.msk $0xffff, v4  }
0x205: {  	v6 =	vld [tilespmem:s30+$0x130]  }
0x206: {  	v3 =	vld [tilespmem:s17+$0x30]  }
0x207: {  	[tilespmem:s13+$0x132C0] =	vst.add.f32.msk $0xffff, v2  }
0x208: {  	v4 =	vld [tilespmem:s4+$0x1D0];
	_ =	sdelay $0x1  }
0x209: {  	v5 =	vld [tilespmem:s12+$0xB0]  }
0x20a: {  	[tilespmem:s13+$0x13230] =	vst.add.f32.msk $0xffff, v6  }
0x20b: {  	[tilespmem:s13+$0x13130] =	vst.add.f32.msk $0xffff, v3  }
0x20c: {  	[tilespmem:s13+$0x132D0] =	vst.add.f32.msk $0xffff, v4  }
0x20d: {  	v7 =	vld [tilespmem:s4+$0x1E0]  }
0x20e: {  	[tilespmem:s13+$0x131B0] =	vst.add.f32.msk $0xffff, v5  }
0x20f: {  	v3 =	vld [tilespmem:s30+$0x140]  }
0x210: {  	v2 =	vld [tilespmem:s17+$0x40]  }
0x211: {  	v4 =	vld [tilespmem:s12+$0xC0]  }
0x212: {  	[tilespmem:s13+$0x132E0] =	vst.add.f32.msk $0xffff, v7  }
0x213: {  	s29 =	simm.s32 $0x800;
	s31 =	simm.s32 $0xCC0A;
	s20 =	simm.s32 $0x4;
	v5 =	vld [tilespmem:s4+$0x1F0]  }
.LBB2_7:
0x214: {  	v6 =	vld [tilespmem:s31+$0x1];
	s20 =	sadd.s32 $0x4, s20  }
0x215: {  	v7 =	vld [tilespmem:s31+$0xFFFFFFFF];
	p1 =	slt.u32 s20, $0xC4  }
0x216: {  	v8 =	vld [tilespmem:s31+$0x0]  }
0x217: {  	v9 =	vld [tilespmem:s31+$0xFFFFFFFE]  }
0x218: {  	[tilespmem:s13+$0x132F0] =	vst.add.f32.msk $0xffff, v5  }
0x219: {  	(v2sf) =	vpush v6, $0x0;
	[tilespmem:s13+$0x13140] =	vst.add.f32.msk $0xffff, v2  }
0x21a: {  	(v2sf) =	vpush v7, $0x0;
	[tilespmem:s13+$0x131C0] =	vst.add.f32.msk $0xffff, v4  }
0x21b: {  	(v2sf) =	vpush v8, $0x0;
	[tilespmem:s13+$0x13240] =	vst.add.f32.msk $0xffff, v3  }
0x21c: {  	(v2sf) =	vpush v9, $0x0;
	v2 =	vld [tilespmem:s17+$0x50]  }
0x21d: {  	v3 =	vld [tilespmem:s12+$0xD0]  }
0x21e: {  	v4 =	vld [tilespmem:s30+$0x150]  }
0x21f: {  	v5 =	vld [tilespmem:s11+$0x170];
	s11 =	smov.u32 s30  }
0x220: {  	[tilespmem:s10+$0x13170] =	vst.add.f32.msk $0xffff, v1  }
0x221: {  	[tilespmem:s13+$0x13150] =	vst.add.f32.msk $0xffff, v2  }
0x222: {  	[tilespmem:s13+$0x131D0] =	vst.add.f32.msk $0xffff, v3  }
0x223: {  	[tilespmem:s13+$0x13250] =	vst.add.f32.msk $0xffff, v4  }
0x224: {  	v1 =	vld [tilespmem:s17+$0x60]  }
0x225: {  	v2 =	vld [tilespmem:s12+$0xE0]  }
0x226: {  	v3 =	vld [tilespmem:s11+$0x160]  }
0x227: {  	[tilespmem:s10+$0x131F0] =	vst.add.f32.msk $0xffff, v0  }
0x228: {  	s4 =	spop (v2sf);
	[tilespmem:s10+$0x13270] =	vst.add.f32.msk $0xffff, v5;
	s10 =	smov.u32 s13  }
0x229: {  	s4 =	smul.u32 $0x19000, s4;
	s13 =	spop (v2sf);
	[tilespmem:s10+$0x13160] =	vst.add.f32.msk $0xffff, v1  }
0x22a: {  	s29 =	sadd.s32 $0x800, s29;
	s19 =	smul.u32 $0x19000, s13;
	s30 =	spop (v2sf);
	[tilespmem:s10+$0x131E0] =	vst.add.f32.msk $0xffff, v2  }
0x22b: {  	s13 =	sshra.s32 s29, $0x2;
	s4 =	sshra.s32 s4, $0x2;
	s28 =	spop (v2sf);
	[tilespmem:s10+$0x13260] =	vst.add.f32.msk $0xffff, v3  }
0x22c: {  	s21 =	smul.u32 $0x19000, s28;
	s19 =	sshra.s32 s19, $0x2;
	s28 =	sadd.s32 s13, s4;
	v1 =	vld [tilespmem:s17+$0x70]  }
0x22d: {  	s4 =	sadd.s32 s13, s19;
	s19 =	smul.u32 $0x19000, s30;
	v2 =	vld [tilespmem:s28+$0x180]  }
0x22e: {  	s17 =	sshra.s32 s21, $0x2;
	v3 =	vld [tilespmem:s4+$0x80]  }
0x22f: {  	s17 =	sadd.s32 s13, s17;
	s19 =	sshra.s32 s19, $0x2;
	v0 =	vld [tilespmem:s12+$0xF0];
	s12 =	smov.u32 s4  }
0x230: {  	v4 =	vld [tilespmem:s17+$0x0];
	s30 =	sadd.s32 s13, s19  }
0x231: {  	v5 =	vld [tilespmem:s30+$0x100]  }
0x232: {  	[tilespmem:s13+$0x13280] =	vst.add.f32.msk $0xffff, v2  }
0x233: {  	v2 =	vld [tilespmem:s28+$0x190]  }
0x234: {  	[tilespmem:s13+$0x13180] =	vst.add.f32.msk $0xffff, v3  }
0x235: {  	[tilespmem:s13+$0x13100] =	vst.add.f32.msk $0xffff, v4  }
0x236: {  	[tilespmem:s13+$0x13200] =	vst.add.f32.msk $0xffff, v5  }
0x237: {  	v3 =	vld [tilespmem:s17+$0x10]  }
0x238: {  	[tilespmem:s13+$0x13290] =	vst.add.f32.msk $0xffff, v2  }
0x239: {  	v2 =	vld [tilespmem:s28+$0x1A0]  }
0x23a: {  	v4 =	vld [tilespmem:s12+$0x90]  }
0x23b: {  	v5 =	vld [tilespmem:s30+$0x110]  }
0x23c: {  	[tilespmem:s13+$0x13110] =	vst.add.f32.msk $0xffff, v3  }
0x23d: {  	v3 =	vld [tilespmem:s17+$0x20]  }
0x23e: {  	[tilespmem:s13+$0x132A0] =	vst.add.f32.msk $0xffff, v2  }
0x23f: {  	v2 =	vld [tilespmem:s28+$0x1B0]  }
0x240: {  	[tilespmem:s13+$0x13190] =	vst.add.f32.msk $0xffff, v4  }
0x241: {  	[tilespmem:s13+$0x13210] =	vst.add.f32.msk $0xffff, v5  }
0x242: {  	v4 =	vld [tilespmem:s12+$0xA0]  }
0x243: {  	v5 =	vld [tilespmem:s30+$0x120]  }
0x244: {  	[tilespmem:s13+$0x132B0] =	vst.add.f32.msk $0xffff, v2  }
0x245: {  	v2 =	vld [tilespmem:s28+$0x1C0]  }
0x246: {  	[tilespmem:s13+$0x13120] =	vst.add.f32.msk $0xffff, v3  }
0x247: {  	[tilespmem:s13+$0x131A0] =	vst.add.f32.msk $0xffff, v4  }
0x248: {  	[tilespmem:s13+$0x13220] =	vst.add.f32.msk $0xffff, v5  }
0x249: {  	v3 =	vld [tilespmem:s17+$0x30]  }
0x24a: {  	[tilespmem:s13+$0x132C0] =	vst.add.f32.msk $0xffff, v2  }
0x24b: {  	v4 =	vld [tilespmem:s28+$0x1D0]  }
0x24c: {  	v5 =	vld [tilespmem:s12+$0xB0]  }
0x24d: {  	v6 =	vld [tilespmem:s30+$0x130]  }
0x24e: {  	[tilespmem:s13+$0x13130] =	vst.add.f32.msk $0xffff, v3  }
0x24f: {  	v2 =	vld [tilespmem:s17+$0x40]  }
0x250: {  	[tilespmem:s13+$0x132D0] =	vst.add.f32.msk $0xffff, v4  }
0x251: {  	v7 =	vld [tilespmem:s28+$0x1E0]  }
0x252: {  	[tilespmem:s13+$0x131B0] =	vst.add.f32.msk $0xffff, v5  }
.Ltmp4:
0x253: {  	[tilespmem:s13+$0x13230] =	vst.add.f32.msk $0xffff, v6;
	(pc) =	sbr.rel @p1 .LBB2_7-.Ltmp4, $4  }
0x254: {  	v4 =	vld [tilespmem:s12+$0xC0]  }
0x255: {  	v3 =	vld [tilespmem:s30+$0x140]  }
0x256: {  	[tilespmem:s13+$0x132E0] =	vst.add.f32.msk $0xffff, v7  }
0x257: {  	s31 =	sadd.s32 $0x4, s31;
	v5 =	vld [tilespmem:s28+$0x1F0]  }
0x258: {  	[tilespmem:s13+$0x13140] =	vst.add.f32.msk $0xffff, v2  }
0x259: {  	v60 =	vld [tilespmem:s11+$0x170]  }
0x25a: {  	[tilespmem:s13+$0x131C0] =	vst.add.f32.msk $0xffff, v4  }
0x25b: {  	v2 =	vld [tilespmem:s17+$0x50]  }
0x25c: {  	v58 =	vld [tilespmem:s12+$0xD0]  }
0x25d: {  	[tilespmem:s10+$0x13170] =	vst.add.f32.msk $0xffff, v1  }
0x25e: {  	[tilespmem:s13+$0x13240] =	vst.add.f32.msk $0xffff, v3  }
0x25f: {  	v59 =	vld [tilespmem:s30+$0x150]  }
0x260: {  	[tilespmem:s13+$0x13150] =	vst.add.f32.msk $0xffff, v2  }
0x261: {  	[tilespmem:s13+$0x131D0] =	vst.add.f32.msk $0xffff, v58  }
0x262: {  	v2 =	vld [tilespmem:s17+$0x60]  }
0x263: {  	v3 =	vld [tilespmem:s12+$0xE0]  }
0x264: {  	[tilespmem:s13+$0x13250] =	vst.add.f32.msk $0xffff, v59  }
0x265: {  	v4 =	vld [tilespmem:s30+$0x160]  }
0x266: {  	[tilespmem:s10+$0x131F0] =	vst.add.f32.msk $0xffff, v0  }
0x267: {  	[tilespmem:s13+$0x13160] =	vst.add.f32.msk $0xffff, v2  }
0x268: {  	[tilespmem:s13+$0x131E0] =	vst.add.f32.msk $0xffff, v3  }
0x269: {  	v61 =	vld [tilespmem:s17+$0x70]  }
0x26a: {  	[tilespmem:s13+$0x13260] =	vst.add.f32.msk $0xffff, v4  }
0x26b: {  	v62 =	vld [tilespmem:s12+$0xF0]  }
0x26c: {  	v63 =	vld [tilespmem:s30+$0x170]  }
0x26d: {  	[tilespmem:s13+$0x132F0] =	vst.add.f32.msk $0xffff, v5  }
.Ltmp5:
0x26e: {  	[tilespmem:s10+$0x13270] =	vst.add.f32.msk $0xffff, v60;
	(pc) =	sbr.rel @p0 .LBB2_10-.Ltmp5, $4  }
0x26f: {  	s4 =	sadd.s32 s18, s15;
	[tilespmem:s13+$0x13170] =	vst.add.f32.msk $0xffff, v61  }
0x270: {  	s4 =	sshll.u32 s4, $0x4;
	[tilespmem:s13+$0x131F0] =	vst.add.f32.msk $0xffff, v62  }
0x271: {  	s4 =	sadd.s32 s5, s4;
	[tilespmem:s13+$0x13270] =	vst.add.f32.msk $0xffff, v63  }
0x272: {  	[hbm4b:s4+s6] =	stream.linear.scatter [tilespmem:s3], [sflag:$0x6], $0x6400, $0x38;
	[tilespmem:$0x19500] =	vst v63  }
0x273: {  	s4 =	sadd.s32 s18, s16  }
.Ltmp6:
0x274: {  	s4 =	sshrl.u32 s4, $0x3;
	(pc) =	sbr.rel .LBB2_4-.Ltmp6, $4  }
0x275: {  	s10 =	sadd.s32 s8, s4  }
0x276: {  	[tilespmem:s26], [sflag:$0x2] =	stream.linear.gather [hbm4b:s10+s6], $0xC8, $0x38;
	[tilespmem:$0x19500] =	vst v63  }
0x277: {  	s31 =	simm.s32 $0xCC00;
	s1 =	sadd.s32 $0x1, s1;
	s4 =	sadd.s32 s9, s4  }
0x278: {  	[tilespmem:s31], [sflag:$0x2] =	stream.linear.gather [hbm4b:s4+s6], $0xC8, $0x38;
	[tilespmem:$0x19500] =	vst v63  }
.LBB2_11:
0x279: {  	_ =	sfence.sel $0x180000  }
0x27a: {  	[bflag:$0x0] =	sbarrier.arrive $0xFFFF  }
0x27b: {  	_ =	strace $0x90000047  }
0x27c: {  	s0 =	stileid.u32;
	[bflag:$0x2] =	sbarrier.arrive $0xFFFF  }
0x27d: {  	p0 =	sne.s32 s0, $0x0;
	s0 =	rddreg [dreg:$0x5]  }
0x27e: {  	s0 =	sadd.s32 @!p0 $0x100000, s0  }
0x27f: {  	[sflag:s0] =	ssyncadd.tile.s32 @!p0 $0x1;
	_ =	shalt  }
.Lfunc_end2:
_tile_overlayer_lowered:
.L_overlay_start_2:
0x280: {  	(tag) =	ssettag $0x2  }
0x281: {  	s0 =	rddreg [dreg:$0x0];
	s2 =	stileid.u32  }
0x282: {  	s1 =	rddreg [dreg:$0x1];
	p0 =	sne.s32 s2, $0x0  }
0x283: {  	s3 =	rddreg [dreg:$0x2];
	[bflag:$0x3] =	sbarrier.arrive $0xFFFF;
	s2 =	simm.s32 @!p0 $0x1C07  }
0x284: {  	[timem:s3], [sflag:s2] =	dma.local @!p0 [hbm:s0], s1  }
0x285: {  	s0 =	simm.s32 @!p0 $0x7  }
0x286: {  	_ =	swait.ge @!p0 [sflag:s0], s1  }
0x287: {  	s1 =	ssub.s32 @!p0 $0x0, s1;
	[sflag:s0] =	ssyncset.done @!p0 $0x0  }
0x288: {  	[sflag:s0] =	ssyncadd.s32 @!p0 s1  }
0x289: {  	[bflag:$0x3] =	sbarrier.arrive $0xFFFF  }
0x28a: {  	_ =	shalt  }

</sc_bundles>
